<compile_context>
chip_gen: v7x
topology: tpu7x:2x2x1
jax: 0.10.2.dev20260603
libtpu: 0.0.44.dev20260713+nightly
codegen_flags: <defaults>
</compile_context>

<pallas_src>
import jax
import jax.numpy as jnp
from jax import lax
from jax.experimental import pallas as pl
from jax.experimental.pallas import tpu as pltpu
from jax.experimental.pallas import tpu_sc as plsc

N = 10000
E = 320000
NP = 10240
F = 16
B = 128
NC = 2
NS = 16
NW = NC * NS
NCHUNK = E // B
CPW = 79
RPS = NP // NS

_mesh = plsc.VectorSubcoreMesh(core_axis_name="c", subcore_axis_name="s")
_sc_params = pltpu.CompilerParams(use_tc_tiling_on_sc=False)


def _sc_deg_body(dst_hbm, zeros_hbm, ones_hbm, out_hbm, ones_v, didx_v, sem, acc_sh):
    c = lax.axis_index("c")
    s = lax.axis_index("s")
    w = s * NC + c
    w79 = w * CPW
    base = jnp.minimum(w79, NCHUNK - CPW)
    o = w79 - base
    nj = jnp.minimum(CPW, NCHUNK - w79)
    pltpu.sync_copy(zeros_hbm.at[pl.ds(s * RPS, RPS)], acc_sh.at[pl.ds(s * RPS, RPS)])
    pltpu.sync_copy(ones_hbm, ones_v)
    pltpu.sync_copy(dst_hbm.at[pl.ds(base, CPW)], didx_v)
    plsc.subcore_barrier()

    def fire(j, carry):
        pltpu.async_copy(ones_v, acc_sh.at[didx_v.at[j + o]], sem, add=True)
        return carry

    lax.fori_loop(0, nj, fire, 0)

    def drain(j, carry):
        pltpu.make_async_copy(ones_v, acc_sh.at[didx_v.at[j + o]], sem).wait()
        return carry

    lax.fori_loop(0, nj, drain, 0)
    plsc.subcore_barrier()
    pltpu.sync_copy(acc_sh.at[pl.ds(s * RPS, RPS)], out_hbm.at[c, pl.ds(s * RPS, RPS)])


RING = 12
PF = 6


def _sc_prop_body(p_hbm, src_hbm, dst_hbm, zeros_hbm, out_hbm,
                  sidx_v, didx_v, rows_v, gsem, ssem, acc_sh):
    c = lax.axis_index("c")
    s = lax.axis_index("s")
    w = s * NC + c
    w79 = w * CPW
    base = jnp.minimum(w79, NCHUNK - CPW)
    o = w79 - base
    nj = jnp.minimum(CPW, NCHUNK - w79)
    pltpu.sync_copy(zeros_hbm.at[pl.ds(s * RPS, RPS)], acc_sh.at[pl.ds(s * RPS, RPS)])
    pltpu.sync_copy(src_hbm.at[pl.ds(base, CPW)], sidx_v)
    pltpu.sync_copy(dst_hbm.at[pl.ds(base, CPW)], didx_v)
    plsc.subcore_barrier()

    def prime(j, carry):
        @pl.when(j < nj)
        def _():
            pltpu.async_copy(p_hbm.at[sidx_v.at[j + o]], rows_v.at[j], gsem.at[j])
        return carry

    lax.fori_loop(0, PF, prime, 0)

    def body(j, carry):
        b = lax.rem(j, RING)
        bn = lax.rem(j + PF, RING)

        @pl.when(j >= RING - PF)
        def _():
            pltpu.make_async_copy(rows_v.at[bn],
                                  acc_sh.at[didx_v.at[j - (RING - PF) + o]],
                                  ssem.at[bn]).wait()

        @pl.when(j + PF < nj)
        def _():
            pltpu.async_copy(p_hbm.at[sidx_v.at[j + PF + o]], rows_v.at[bn], gsem.at[bn])

        pltpu.make_async_copy(p_hbm.at[sidx_v.at[j + o]], rows_v.at[b], gsem.at[b]).wait()
        pltpu.async_copy(rows_v.at[b], acc_sh.at[didx_v.at[j + o]], ssem.at[b], add=True)
        return carry

    lax.fori_loop(0, nj, body, 0)

    def drain(k, carry):
        j = nj - (RING - PF) + k

        @pl.when(j >= 0)
        def _():
            pltpu.make_async_copy(rows_v.at[lax.rem(j, RING)],
                                  acc_sh.at[didx_v.at[j + o]],
                                  ssem.at[lax.rem(j, RING)]).wait()
        return carry

    lax.fori_loop(0, RING - PF, drain, 0)
    plsc.subcore_barrier()
    pltpu.sync_copy(acc_sh.at[pl.ds(s * RPS, RPS)], out_hbm.at[c, pl.ds(s * RPS, RPS)])


_sc_deg = pl.kernel(
    _sc_deg_body,
    out_type=jax.ShapeDtypeStruct((NC, NP, F), jnp.float32),
    mesh=_mesh,
    compiler_params=_sc_params,
    scratch_types=[
        pltpu.VMEM((B, F), jnp.float32),
        pltpu.VMEM((CPW, B), jnp.int32),
        pltpu.SemaphoreType.DMA,
        pltpu.VMEM_SHARED((NP, F), jnp.float32),
    ],
)

_sc_prop = pl.kernel(
    _sc_prop_body,
    out_type=jax.ShapeDtypeStruct((NC, NP, F), jnp.float32),
    mesh=_mesh,
    compiler_params=_sc_params,
    scratch_types=[
        pltpu.VMEM((CPW, B), jnp.int32),
        pltpu.VMEM((CPW, B), jnp.int32),
        pltpu.VMEM((RING, B, F), jnp.float32),
        pltpu.SemaphoreType.DMA((RING,)),
        pltpu.SemaphoreType.DMA((RING,)),
        pltpu.VMEM_SHARED((NP, F), jnp.float32),
    ],
)


PK = N // 8
PKP = NP // 8


def _tc_cvt_body(ei_ref, s_ref, d_ref):
    s_ref[...] = ei_ref[0]
    d_ref[...] = ei_ref[1]


def _tc_cvt(edge_index):
    return pl.pallas_call(
        _tc_cvt_body,
        out_shape=[jax.ShapeDtypeStruct((E,), jnp.int32),
                   jax.ShapeDtypeStruct((E,), jnp.int32)],
    )(edge_index)


def _tc_mm_body(x_ref, w_ref, p0_ref):
    p0_ref[...] = jnp.dot(x_ref[...], w_ref[...],
                          preferred_element_type=jnp.float32)


def _tc_scale_body(p0_ref, degp_ref, p_ref, dinv_ref):
    deg = degp_ref[0, :PK] + degp_ref[1, :PK]
    dinv = lax.rsqrt(jnp.maximum(deg, 1.0))
    p_ref[...] = p0_ref[...] * dinv
    dinv_ref[...] = dinv


def _tc_b_body(a1p_ref, dinv_ref, q_ref):
    dinv = dinv_ref[...]
    a1 = (a1p_ref[0, :PK] + a1p_ref[1, :PK]) * dinv
    q_ref[...] = jnp.maximum(a1, 0.0) * dinv


def _tc_c_body(a2p_ref, dinv_ref, w2bd_ref, out_ref):
    a2 = (a2p_ref[0, :PK] + a2p_ref[1, :PK]) * dinv_ref[...]
    out_ref[...] = jnp.dot(a2, w2bd_ref[...], preferred_element_type=jnp.float32)


def _tc_mm(x, W1):
    return pl.pallas_call(
        _tc_mm_body,
        out_shape=jax.ShapeDtypeStruct((N, F), jnp.float32),
    )(x, W1)


def _tc_scale(p0, degp_pk):
    return pl.pallas_call(
        _tc_scale_body,
        out_shape=[
            jax.ShapeDtypeStruct((PK, 128), jnp.float32),
            jax.ShapeDtypeStruct((PK, 128), jnp.float32),
        ],
    )(p0, degp_pk)


def _tc_b(a1p_pk, dinv_pk):
    return pl.pallas_call(
        _tc_b_body,
        out_shape=jax.ShapeDtypeStruct((PK, 128), jnp.float32),
    )(a1p_pk, dinv_pk)


def _tc_c(a2p_pk, dinv_pk, W2bd):
    return pl.pallas_call(
        _tc_c_body,
        out_shape=jax.ShapeDtypeStruct((PK, 8 * 64), jnp.float32),
    )(a2p_pk, dinv_pk, W2bd)


@jax.jit
def kernel(x, edge_index, W1, W2):
    src1, dst1 = _tc_cvt(edge_index)
    src2 = src1.reshape(NCHUNK, B)
    dst2 = dst1.reshape(NCHUNK, B)
    zeros_np = jnp.zeros((NP, F), jnp.float32)
    ones_b = jnp.ones((B, F), jnp.float32)

    W2bd = jnp.kron(jnp.eye(8, dtype=jnp.float32), W2)
    p0 = _tc_mm(x, W1)
    deg_parts = _sc_deg(dst2, zeros_np, ones_b)
    p_pk, dinv_pk = _tc_scale(p0.reshape(PK, 128), deg_parts.reshape(NC, PKP, 128))
    a1p = _sc_prop(p_pk.reshape(N, F), src2, dst2, zeros_np)
    q_pk = _tc_b(a1p.reshape(NC, PKP, 128), dinv_pk)
    a2p = _sc_prop(q_pk.reshape(N, F), src2, dst2, zeros_np)
    out = _tc_c(a2p.reshape(NC, PKP, 128), dinv_pk, W2bd)
    return out.reshape(N, 64)

# --- scband reference (transcript-rebuilt; emitter-appended) ---
"""Pipeline reference for scband-obvat-57647051047655 (READ-ONLY COPY).

The authoritative reference and input builder live on the scoring server;
editing this copy changes nothing except your own understanding.
"""

import jax, jax.numpy as jnp
import numpy as np

N_NODES = 10000
N_EDGES = 320000
IN_FEAT = 128
HID = 16
OUT_FEAT = 64


def setup_inputs(seed: int = 0) -> dict:
    key = jax.random.key(seed)
    k1, k2, k3, k4 = jax.random.split(key, 4)
    x = jax.random.normal(k1, (N_NODES, IN_FEAT), dtype=jnp.float32)
    edge_index = jax.random.randint(k2, (2, N_EDGES), 0, N_NODES, dtype=jnp.int32)
    # GCNConv weights (bias=False): layer1 in_features->hid, layer2 hid->out_features
    W1 = jax.random.normal(k3, (IN_FEAT, HID), dtype=jnp.float32) * (1.0 / np.sqrt(IN_FEAT))
    W2 = jax.random.normal(k4, (HID, OUT_FEAT), dtype=jnp.float32) * (1.0 / np.sqrt(HID))
    return {"x": x, "edge_index": edge_index, "W1": W1, "W2": W2}


def reference(x, edge_index, W1, W2):
    # OBVAT.forward(x, adj) = conv(x, adj):
    #   Dropout(0.0) -> GCNConv(128,16) -> ReLU -> Dropout(0.0) -> GCNConv(16,64)
    # adj is the symmetrically-normalized sparse adjacency (standard GCN preprocessing),
    # represented here by edge_index with per-edge norm 1/sqrt(deg_src*deg_dst).
    n = x.shape[0]
    src = edge_index[0]
    dst = edge_index[1]
    deg = jnp.zeros((n,), dtype=jnp.float32).at[dst].add(1.0)
    deg = jnp.maximum(deg, 1.0)
    dinv = jax.lax.rsqrt(deg)
    norm = dinv[src] * dinv[dst]

    def gcn_conv(h, W):
        h = h @ W                      # dense projection
        msg = jnp.take(h, src, axis=0) * norm[:, None]  # gather + edge weight
        return jax.ops.segment_sum(msg, dst, num_segments=n)  # scatter-add

    h = jax.nn.relu(gcn_conv(x, W1))
    out = gcn_conv(h, W2)
    return out

if __name__ == "__main__":
    import jax
    _d = setup_inputs()
    print(jax.jit(kernel)(*tuple(_d.values())))

</pallas_src>

<mosaic_0001>
#map = affine_map<(d0, d1) -> (0, 0)>
#map1 = affine_map<(d0, d1) -> (0, 0, 0)>
module attributes {stable_mosaic.version = 14 : i64} {
  func.func @_sc_prop_body(%arg0: i32, %arg1: i32, %arg2: memref<10000x16xf32, #tpu.memory_space<hbm>>, %arg3: memref<2500x128xi32, #tpu.memory_space<hbm>>, %arg4: memref<2500x128xi32, #tpu.memory_space<hbm>>, %arg5: memref<10240x16xf32, #tpu.memory_space<hbm>>, %arg6: memref<2x10240x16xf32, #tpu.memory_space<hbm>>, %arg7: memref<79x128xi32, #tpu.memory_space<vmem>>, %arg8: memref<79x128xi32, #tpu.memory_space<vmem>>, %arg9: memref<12x128x16xf32, #tpu.memory_space<vmem>>, %arg10: memref<12x!tpu.dma_semaphore, #tpu.memory_space<semaphore_mem>>, %arg11: memref<12x!tpu.dma_semaphore, #tpu.memory_space<semaphore_mem>>, %arg12: memref<10240x16xf32, #tpu.memory_space<vmem_shared>>) attributes {dimension_semantics = [#tpu.dimension_semantics<core_parallel>, #tpu.dimension_semantics<subcore_parallel>], iteration_bounds = array<i64: 2, 16>, scalar_prefetch = 0 : i64, scratch_operands = 6 : i64, tpu.core_type = #tpu.core_type<sc_vector_subcore>, window_params = [{transform_indices = #map}, {transform_indices = #map}, {transform_indices = #map}, {transform_indices = #map}, {transform_indices = #map1}]} {
    %mul3A = arith.constant 2 : i32
    %mul3A_0 = arith.muli %arg1, %mul3A : i32
    %add3A = arith.addi %mul3A_0, %arg0 : i32
    %mul3A_1 = arith.constant 79 : i32
    %mul3A_2 = arith.muli %add3A, %mul3A_1 : i32
    %min3A = arith.constant 2421 : i32
    %min3A_3 = arith.minsi %mul3A_2, %min3A : i32
    %sub3A = arith.subi %mul3A_2, %min3A_3 : i32
    %sub3A_4 = arith.constant 2500 : i32
    %sub3A_5 = arith.subi %sub3A_4, %mul3A_2 : i32
    %min3A_6 = arith.constant 79 : i32
    %min3A_7 = arith.minsi %min3A_6, %sub3A_5 : i32
    %mul3A_8 = arith.constant 640 : i32
    %mul3A_9 = arith.muli %arg1, %mul3A_8 : i32
    %mul3A_10 = arith.constant 640 : i32
    %mul3A_11 = arith.muli %arg1, %mul3A_10 : i32
    "tpu.region"() ({
      %run_scoped3A = tpu.sem_alloc : memref<!tpu.dma_semaphore, #tpu.memory_space<semaphore_mem>>
      %dma_start3A = arith.constant 0 : i32
      %dma_start3A_37 = tpu.memref_slice %arg12[%mul3A_11, %dma_start3A] : memref<10240x16xf32, #tpu.memory_space<vmem_shared>> -> memref<640x16xf32, #tpu.memory_space<vmem_shared>>
      %dma_start3A_38 = arith.constant 0 : i32
      %dma_start3A_39 = tpu.memref_slice %arg5[%mul3A_9, %dma_start3A_38] : memref<10240x16xf32, #tpu.memory_space<hbm>> -> memref<640x16xf32, #tpu.memory_space<hbm>>
      tpu.enqueue_dma source(%dma_start3A_39 : memref<640x16xf32, #tpu.memory_space<hbm>>) target(%dma_start3A_37 : memref<640x16xf32, #tpu.memory_space<vmem_shared>>) target_semaphore(%run_scoped3A : memref<!tpu.dma_semaphore, #tpu.memory_space<semaphore_mem>>)
      %dma_wait3A = arith.constant 0 : i32
      %dma_wait3A_40 = tpu.memref_slice %arg12[%mul3A_11, %dma_wait3A] : memref<10240x16xf32, #tpu.memory_space<vmem_shared>> -> memref<640x16xf32, #tpu.memory_space<vmem_shared>>
      %dma_wait3A_41 = arith.constant 0 : i32
      %dma_wait3A_42 = tpu.memref_slice %arg5[%mul3A_9, %dma_wait3A_41] : memref<10240x16xf32, #tpu.memory_space<hbm>> -> memref<640x16xf32, #tpu.memory_space<hbm>>
      tpu.wait_dma2 semaphore(%run_scoped3A : memref<!tpu.dma_semaphore, #tpu.memory_space<semaphore_mem>>) src(%dma_wait3A_42 : memref<640x16xf32, #tpu.memory_space<hbm>>) dst(%dma_wait3A_40 : memref<640x16xf32, #tpu.memory_space<vmem_shared>>)
      tpu.yield
    }) : () -> ()
    "tpu.region"() ({
      %run_scoped3A = tpu.sem_alloc : memref<!tpu.dma_semaphore, #tpu.memory_space<semaphore_mem>>
      %dma_start3A = arith.constant 0 : i32
      %dma_start3A_37 = tpu.memref_slice %arg3[%min3A_3, %dma_start3A] : memref<2500x128xi32, #tpu.memory_space<hbm>> -> memref<79x128xi32, #tpu.memory_space<hbm>>
      %dma_start3A_38 = arith.constant 0 : i32
      %dma_start3A_39 = tpu.memref_slice %arg3[%min3A_3, %dma_start3A_38] : memref<2500x128xi32, #tpu.memory_space<hbm>> -> memref<79x128xi32, #tpu.memory_space<hbm>>
      tpu.enqueue_dma source(%dma_start3A_39 : memref<79x128xi32, #tpu.memory_space<hbm>>) target(%arg7 : memref<79x128xi32, #tpu.memory_space<vmem>>) target_semaphore(%run_scoped3A : memref<!tpu.dma_semaphore, #tpu.memory_space<semaphore_mem>>)
      %dma_wait3A = arith.constant 0 : i32
      %dma_wait3A_40 = tpu.memref_slice %arg3[%min3A_3, %dma_wait3A] : memref<2500x128xi32, #tpu.memory_space<hbm>> -> memref<79x128xi32, #tpu.memory_space<hbm>>
      %dma_wait3A_41 = arith.constant 0 : i32
      %dma_wait3A_42 = tpu.memref_slice %arg3[%min3A_3, %dma_wait3A_41] : memref<2500x128xi32, #tpu.memory_space<hbm>> -> memref<79x128xi32, #tpu.memory_space<hbm>>
      tpu.wait_dma2 semaphore(%run_scoped3A : memref<!tpu.dma_semaphore, #tpu.memory_space<semaphore_mem>>) src(%dma_wait3A_42 : memref<79x128xi32, #tpu.memory_space<hbm>>) dst(%arg7 : memref<79x128xi32, #tpu.memory_space<vmem>>)
      tpu.yield
    }) : () -> ()
    "tpu.region"() ({
      %run_scoped3A = tpu.sem_alloc : memref<!tpu.dma_semaphore, #tpu.memory_space<semaphore_mem>>
      %dma_start3A = arith.constant 0 : i32
      %dma_start3A_37 = tpu.memref_slice %arg4[%min3A_3, %dma_start3A] : memref<2500x128xi32, #tpu.memory_space<hbm>> -> memref<79x128xi32, #tpu.memory_space<hbm>>
      %dma_start3A_38 = arith.constant 0 : i32
      %dma_start3A_39 = tpu.memref_slice %arg4[%min3A_3, %dma_start3A_38] : memref<2500x128xi32, #tpu.memory_space<hbm>> -> memref<79x128xi32, #tpu.memory_space<hbm>>
      tpu.enqueue_dma source(%dma_start3A_39 : memref<79x128xi32, #tpu.memory_space<hbm>>) target(%arg8 : memref<79x128xi32, #tpu.memory_space<vmem>>) target_semaphore(%run_scoped3A : memref<!tpu.dma_semaphore, #tpu.memory_space<semaphore_mem>>)
      %dma_wait3A = arith.constant 0 : i32
      %dma_wait3A_40 = tpu.memref_slice %arg4[%min3A_3, %dma_wait3A] : memref<2500x128xi32, #tpu.memory_space<hbm>> -> memref<79x128xi32, #tpu.memory_space<hbm>>
      %dma_wait3A_41 = arith.constant 0 : i32
      %dma_wait3A_42 = tpu.memref_slice %arg4[%min3A_3, %dma_wait3A_41] : memref<2500x128xi32, #tpu.memory_space<hbm>> -> memref<79x128xi32, #tpu.memory_space<hbm>>
      tpu.wait_dma2 semaphore(%run_scoped3A : memref<!tpu.dma_semaphore, #tpu.memory_space<semaphore_mem>>) src(%dma_wait3A_42 : memref<79x128xi32, #tpu.memory_space<hbm>>) dst(%arg8 : memref<79x128xi32, #tpu.memory_space<vmem>>)
      tpu.yield
    }) : () -> ()
    %barrier3A = arith.constant 0 : index
    tpu.barrier barrier_id(%barrier3A)
    %scan3A = arith.constant 0 : i32
    %scan3A_12 = arith.constant 0 : i32
    %scan3A_13 = arith.constant 6 : i32
    %scan3A_14 = arith.addi %scan3A_12, %scan3A_13 : i32
    %scan3A_15 = arith.constant 1 : i32
    scf.for %scan3A_37 = %scan3A_12 to %scan3A_14 step %scan3A_15  : i32 {
      %lt3A = arith.cmpi slt, %scan3A_37, %min3A_7 : i32
      %convert_element_type3A = arith.extui %lt3A : i1 to i32
      %cond3A = arith.constant 0 : i32
      %cond3A_38 = arith.cmpi ne, %convert_element_type3A, %cond3A : i32
      scf.if %cond3A_38 {
        %add3A_39 = arith.addi %scan3A_37, %sub3A : i32
        %dma_start3A = arith.constant 0 : i32
        %dma_start3A_40 = arith.constant 0 : i32
        %dma_start3A_41 = tpu.memref_slice %arg9[%scan3A_37, %dma_start3A, %dma_start3A_40] : memref<12x128x16xf32, #tpu.memory_space<vmem>> -> memref<1x128x16xf32, #tpu.memory_space<vmem>>
        %dma_start3A_42 = tpu.memref_squeeze %dma_start3A_41 : memref<1x128x16xf32, #tpu.memory_space<vmem>> -> memref<128x16xf32, #tpu.memory_space<vmem>>
        %dma_start3A_43 = arith.constant 0 : i32
        %dma_start3A_44 = tpu.memref_slice %arg7[%add3A_39, %dma_start3A_43] : memref<79x128xi32, #tpu.memory_space<vmem>> -> memref<1x128xi32, #tpu.memory_space<vmem>>
        %dma_start3A_45 = tpu.memref_squeeze %dma_start3A_44 : memref<1x128xi32, #tpu.memory_space<vmem>> -> memref<128xi32, #tpu.memory_space<vmem>>
        %dma_start3A_46 = arith.constant 0 : i32
        %dma_start3A_47 = arith.constant 0 : i32
        %dma_start3A_48 = tpu.memref_slice %arg2[%dma_start3A_46, %dma_start3A_47] : memref<10000x16xf32, #tpu.memory_space<hbm>> -> memref<10000x16xf32, #tpu.memory_space<hbm>>
        %dma_start3A_49 = tpu.memref_slice %arg10[%scan3A_37] : memref<12x!tpu.dma_semaphore, #tpu.memory_space<semaphore_mem>> -> memref<1x!tpu.dma_semaphore, #tpu.memory_space<semaphore_mem>>
        %dma_start3A_50 = tpu.memref_squeeze %dma_start3A_49 : memref<1x!tpu.dma_semaphore, #tpu.memory_space<semaphore_mem>> -> memref<!tpu.dma_semaphore, #tpu.memory_space<semaphore_mem>>
        tpu.enqueue_indirect_dma source(%dma_start3A_48 : memref<10000x16xf32, #tpu.memory_space<hbm>>) target(%dma_start3A_42 : memref<128x16xf32, #tpu.memory_space<vmem>>) offsets(%dma_start3A_45 : memref<128xi32, #tpu.memory_space<vmem>>) semaphore(%dma_start3A_50 : memref<!tpu.dma_semaphore, #tpu.memory_space<semaphore_mem>>)
      } else {
      }
    }
    %scan3A_16 = arith.constant 6 : i32
    %while3A = arith.constant 0 : i32
    %while3A_17 = arith.constant 0 : i32
    %while3A_18 = arith.subi %min3A_7, %while3A_17 : i32
    %while3A_19 = arith.addi %while3A_17, %while3A_18 : i32
    %while3A_20 = arith.constant 1 : i32
    %while3A_21 = arith.divsi %while3A_18, %while3A_20 : i32
    %while3A_22 = arith.muli %while3A_21, %while3A_20 : i32
    %while3A_23 = arith.addi %while3A_17, %while3A_22 : i32
    %while3A_24 = arith.constant 1 : i32
    scf.for %while3A_37 = %while3A_17 to %while3A_23 step %while3A_24  : i32 {
      %rem3A = arith.constant 12 : i32
      %rem3A_38 = arith.remsi %while3A_37, %rem3A : i32
      %add3A_39 = arith.constant 6 : i32
      %add3A_40 = arith.addi %while3A_37, %add3A_39 : i32
      %rem3A_41 = arith.constant 12 : i32
      %rem3A_42 = arith.remsi %add3A_40, %rem3A_41 : i32
      %ge3A = arith.constant 6 : i32
      %ge3A_43 = arith.cmpi sge, %while3A_37, %ge3A : i32
      %convert_element_type3A = arith.extui %ge3A_43 : i1 to i32
      %cond3A = arith.constant 0 : i32
      %cond3A_44 = arith.cmpi ne, %convert_element_type3A, %cond3A : i32
      scf.if %cond3A_44 {
        %sub3A_74 = arith.constant 6 : i32
        %sub3A_75 = arith.subi %while3A_37, %sub3A_74 : i32
        %add3A_76 = arith.addi %sub3A_75, %sub3A : i32
        %dma_wait3A_77 = arith.constant 0 : i32
        %dma_wait3A_78 = arith.constant 0 : i32
        %dma_wait3A_79 = tpu.memref_slice %arg9[%rem3A_42, %dma_wait3A_77, %dma_wait3A_78] : memref<12x128x16xf32, #tpu.memory_space<vmem>> -> memref<1x128x16xf32, #tpu.memory_space<vmem>>
        %dma_wait3A_80 = tpu.memref_squeeze %dma_wait3A_79 : memref<1x128x16xf32, #tpu.memory_space<vmem>> -> memref<128x16xf32, #tpu.memory_space<vmem>>
        %dma_wait3A_81 = arith.constant 0 : i32
        %dma_wait3A_82 = tpu.memref_slice %arg8[%add3A_76, %dma_wait3A_81] : memref<79x128xi32, #tpu.memory_space<vmem>> -> memref<1x128xi32, #tpu.memory_space<vmem>>
        %dma_wait3A_83 = tpu.memref_squeeze %dma_wait3A_82 : memref<1x128xi32, #tpu.memory_space<vmem>> -> memref<128xi32, #tpu.memory_space<vmem>>
        %dma_wait3A_84 = arith.constant 0 : i32
        %dma_wait3A_85 = arith.constant 0 : i32
        %dma_wait3A_86 = tpu.memref_slice %arg12[%dma_wait3A_84, %dma_wait3A_85] : memref<10240x16xf32, #tpu.memory_space<vmem_shared>> -> memref<10240x16xf32, #tpu.memory_space<vmem_shared>>
        %dma_wait3A_87 = tpu.memref_slice %arg11[%rem3A_42] : memref<12x!tpu.dma_semaphore, #tpu.memory_space<semaphore_mem>> -> memref<1x!tpu.dma_semaphore, #tpu.memory_space<semaphore_mem>>
        %dma_wait3A_88 = tpu.memref_squeeze %dma_wait3A_87 : memref<1x!tpu.dma_semaphore, #tpu.memory_space<semaphore_mem>> -> memref<!tpu.dma_semaphore, #tpu.memory_space<semaphore_mem>>
        tpu.wait_indirect_dma semaphore(%dma_wait3A_88 : memref<!tpu.dma_semaphore, #tpu.memory_space<semaphore_mem>>) src(%dma_wait3A_80 : memref<128x16xf32, #tpu.memory_space<vmem>>) dst(%dma_wait3A_86 : memref<10240x16xf32, #tpu.memory_space<vmem_shared>>)
      } else {
      }
      %add3A_45 = arith.constant 6 : i32
      %add3A_46 = arith.addi %while3A_37, %add3A_45 : i32
      %lt3A = arith.cmpi slt, %add3A_46, %min3A_7 : i32
      %convert_element_type3A_47 = arith.extui %lt3A : i1 to i32
      %cond3A_48 = arith.constant 0 : i32
      %cond3A_49 = arith.cmpi ne, %convert_element_type3A_47, %cond3A_48 : i32
      scf.if %cond3A_49 {
        %add3A_74 = arith.constant 6 : i32
        %add3A_75 = arith.addi %while3A_37, %add3A_74 : i32
        %add3A_76 = arith.addi %add3A_75, %sub3A : i32
        %dma_start3A_77 = arith.constant 0 : i32
        %dma_start3A_78 = arith.constant 0 : i32
        %dma_start3A_79 = tpu.memref_slice %arg9[%rem3A_42, %dma_start3A_77, %dma_start3A_78] : memref<12x128x16xf32, #tpu.memory_space<vmem>> -> memref<1x128x16xf32, #tpu.memory_space<vmem>>
        %dma_start3A_80 = tpu.memref_squeeze %dma_start3A_79 : memref<1x128x16xf32, #tpu.memory_space<vmem>> -> memref<128x16xf32, #tpu.memory_space<vmem>>
        %dma_start3A_81 = arith.constant 0 : i32
        %dma_start3A_82 = tpu.memref_slice %arg7[%add3A_76, %dma_start3A_81] : memref<79x128xi32, #tpu.memory_space<vmem>> -> memref<1x128xi32, #tpu.memory_space<vmem>>
        %dma_start3A_83 = tpu.memref_squeeze %dma_start3A_82 : memref<1x128xi32, #tpu.memory_space<vmem>> -> memref<128xi32, #tpu.memory_space<vmem>>
        %dma_start3A_84 = arith.constant 0 : i32
        %dma_start3A_85 = arith.constant 0 : i32
        %dma_start3A_86 = tpu.memref_slice %arg2[%dma_start3A_84, %dma_start3A_85] : memref<10000x16xf32, #tpu.memory_space<hbm>> -> memref<10000x16xf32, #tpu.memory_space<hbm>>
        %dma_start3A_87 = tpu.memref_slice %arg10[%rem3A_42] : memref<12x!tpu.dma_semaphore, #tpu.memory_space<semaphore_mem>> -> memref<1x!tpu.dma_semaphore, #tpu.memory_space<semaphore_mem>>
        %dma_start3A_88 = tpu.memref_squeeze %dma_start3A_87 : memref<1x!tpu.dma_semaphore, #tpu.memory_space<semaphore_mem>> -> memref<!tpu.dma_semaphore, #tpu.memory_space<semaphore_mem>>
        tpu.enqueue_indirect_dma source(%dma_start3A_86 : memref<10000x16xf32, #tpu.memory_space<hbm>>) target(%dma_start3A_80 : memref<128x16xf32, #tpu.memory_space<vmem>>) offsets(%dma_start3A_83 : memref<128xi32, #tpu.memory_space<vmem>>) semaphore(%dma_start3A_88 : memref<!tpu.dma_semaphore, #tpu.memory_space<semaphore_mem>>)
      } else {
      }
      %add3A_50 = arith.addi %while3A_37, %sub3A : i32
      %dma_wait3A = arith.constant 0 : i32
      %dma_wait3A_51 = arith.constant 0 : i32
      %dma_wait3A_52 = tpu.memref_slice %arg9[%rem3A_38, %dma_wait3A, %dma_wait3A_51] : memref<12x128x16xf32, #tpu.memory_space<vmem>> -> memref<1x128x16xf32, #tpu.memory_space<vmem>>
      %dma_wait3A_53 = tpu.memref_squeeze %dma_wait3A_52 : memref<1x128x16xf32, #tpu.memory_space<vmem>> -> memref<128x16xf32, #tpu.memory_space<vmem>>
      %dma_wait3A_54 = arith.constant 0 : i32
      %dma_wait3A_55 = tpu.memref_slice %arg7[%add3A_50, %dma_wait3A_54] : memref<79x128xi32, #tpu.memory_space<vmem>> -> memref<1x128xi32, #tpu.memory_space<vmem>>
      %dma_wait3A_56 = tpu.memref_squeeze %dma_wait3A_55 : memref<1x128xi32, #tpu.memory_space<vmem>> -> memref<128xi32, #tpu.memory_space<vmem>>
      %dma_wait3A_57 = arith.constant 0 : i32
      %dma_wait3A_58 = arith.constant 0 : i32
      %dma_wait3A_59 = tpu.memref_slice %arg2[%dma_wait3A_57, %dma_wait3A_58] : memref<10000x16xf32, #tpu.memory_space<hbm>> -> memref<10000x16xf32, #tpu.memory_space<hbm>>
      %dma_wait3A_60 = tpu.memref_slice %arg10[%rem3A_38] : memref<12x!tpu.dma_semaphore, #tpu.memory_space<semaphore_mem>> -> memref<1x!tpu.dma_semaphore, #tpu.memory_space<semaphore_mem>>
      %dma_wait3A_61 = tpu.memref_squeeze %dma_wait3A_60 : memref<1x!tpu.dma_semaphore, #tpu.memory_space<semaphore_mem>> -> memref<!tpu.dma_semaphore, #tpu.memory_space<semaphore_mem>>
      tpu.wait_indirect_dma semaphore(%dma_wait3A_61 : memref<!tpu.dma_semaphore, #tpu.memory_space<semaphore_mem>>) src(%dma_wait3A_59 : memref<10000x16xf32, #tpu.memory_space<hbm>>) dst(%dma_wait3A_53 : memref<128x16xf32, #tpu.memory_space<vmem>>)
      %add3A_62 = arith.addi %while3A_37, %sub3A : i32
      %dma_start3A = arith.constant 0 : i32
      %dma_start3A_63 = arith.constant 0 : i32
      %dma_start3A_64 = tpu.memref_slice %arg9[%rem3A_38, %dma_start3A, %dma_start3A_63] : memref<12x128x16xf32, #tpu.memory_space<vmem>> -> memref<1x128x16xf32, #tpu.memory_space<vmem>>
      %dma_start3A_65 = tpu.memref_squeeze %dma_start3A_64 : memref<1x128x16xf32, #tpu.memory_space<vmem>> -> memref<128x16xf32, #tpu.memory_space<vmem>>
      %dma_start3A_66 = arith.constant 0 : i32
      %dma_start3A_67 = tpu.memref_slice %arg8[%add3A_62, %dma_start3A_66] : memref<79x128xi32, #tpu.memory_space<vmem>> -> memref<1x128xi32, #tpu.memory_space<vmem>>
      %dma_start3A_68 = tpu.memref_squeeze %dma_start3A_67 : memref<1x128xi32, #tpu.memory_space<vmem>> -> memref<128xi32, #tpu.memory_space<vmem>>
      %dma_start3A_69 = arith.constant 0 : i32
      %dma_start3A_70 = arith.constant 0 : i32
      %dma_start3A_71 = tpu.memref_slice %arg12[%dma_start3A_69, %dma_start3A_70] : memref<10240x16xf32, #tpu.memory_space<vmem_shared>> -> memref<10240x16xf32, #tpu.memory_space<vmem_shared>>
      %dma_start3A_72 = tpu.memref_slice %arg11[%rem3A_38] : memref<12x!tpu.dma_semaphore, #tpu.memory_space<semaphore_mem>> -> memref<1x!tpu.dma_semaphore, #tpu.memory_space<semaphore_mem>>
      %dma_start3A_73 = tpu.memref_squeeze %dma_start3A_72 : memref<1x!tpu.dma_semaphore, #tpu.memory_space<semaphore_mem>> -> memref<!tpu.dma_semaphore, #tpu.memory_space<semaphore_mem>>
      tpu.enqueue_indirect_dma source(%dma_start3A_65 : memref<128x16xf32, #tpu.memory_space<vmem>>) target(%dma_start3A_71 : memref<10240x16xf32, #tpu.memory_space<vmem_shared>>) offsets(%dma_start3A_68 : memref<128xi32, #tpu.memory_space<vmem>>) semaphore(%dma_start3A_73 : memref<!tpu.dma_semaphore, #tpu.memory_space<semaphore_mem>>) {add = true}
    }
    %while3A_25 = arith.constant 1 : i32
    scf.for %while3A_37 = %while3A_23 to %while3A_19 step %while3A_25  : i32 {
      %rem3A = arith.constant 12 : i32
      %rem3A_38 = arith.remsi %while3A_37, %rem3A : i32
      %add3A_39 = arith.constant 6 : i32
      %add3A_40 = arith.addi %while3A_37, %add3A_39 : i32
      %rem3A_41 = arith.constant 12 : i32
      %rem3A_42 = arith.remsi %add3A_40, %rem3A_41 : i32
      %ge3A = arith.constant 6 : i32
      %ge3A_43 = arith.cmpi sge, %while3A_37, %ge3A : i32
      %convert_element_type3A = arith.extui %ge3A_43 : i1 to i32
      %cond3A = arith.constant 0 : i32
      %cond3A_44 = arith.cmpi ne, %convert_element_type3A, %cond3A : i32
      scf.if %cond3A_44 {
        %sub3A_74 = arith.constant 6 : i32
        %sub3A_75 = arith.subi %while3A_37, %sub3A_74 : i32
        %add3A_76 = arith.addi %sub3A_75, %sub3A : i32
        %dma_wait3A_77 = arith.constant 0 : i32
        %dma_wait3A_78 = arith.constant 0 : i32
        %dma_wait3A_79 = tpu.memref_slice %arg9[%rem3A_42, %dma_wait3A_77, %dma_wait3A_78] : memref<12x128x16xf32, #tpu.memory_space<vmem>> -> memref<1x128x16xf32, #tpu.memory_space<vmem>>
        %dma_wait3A_80 = tpu.memref_squeeze %dma_wait3A_79 : memref<1x128x16xf32, #tpu.memory_space<vmem>> -> memref<128x16xf32, #tpu.memory_space<vmem>>
        %dma_wait3A_81 = arith.constant 0 : i32
        %dma_wait3A_82 = tpu.memref_slice %arg8[%add3A_76, %dma_wait3A_81] : memref<79x128xi32, #tpu.memory_space<vmem>> -> memref<1x128xi32, #tpu.memory_space<vmem>>
        %dma_wait3A_83 = tpu.memref_squeeze %dma_wait3A_82 : memref<1x128xi32, #tpu.memory_space<vmem>> -> memref<128xi32, #tpu.memory_space<vmem>>
        %dma_wait3A_84 = arith.constant 0 : i32
        %dma_wait3A_85 = arith.constant 0 : i32
        %dma_wait3A_86 = tpu.memref_slice %arg12[%dma_wait3A_84, %dma_wait3A_85] : memref<10240x16xf32, #tpu.memory_space<vmem_shared>> -> memref<10240x16xf32, #tpu.memory_space<vmem_shared>>
        %dma_wait3A_87 = tpu.memref_slice %arg11[%rem3A_42] : memref<12x!tpu.dma_semaphore, #tpu.memory_space<semaphore_mem>> -> memref<1x!tpu.dma_semaphore, #tpu.memory_space<semaphore_mem>>
        %dma_wait3A_88 = tpu.memref_squeeze %dma_wait3A_87 : memref<1x!tpu.dma_semaphore, #tpu.memory_space<semaphore_mem>> -> memref<!tpu.dma_semaphore, #tpu.memory_space<semaphore_mem>>
        tpu.wait_indirect_dma semaphore(%dma_wait3A_88 : memref<!tpu.dma_semaphore, #tpu.memory_space<semaphore_mem>>) src(%dma_wait3A_80 : memref<128x16xf32, #tpu.memory_space<vmem>>) dst(%dma_wait3A_86 : memref<10240x16xf32, #tpu.memory_space<vmem_shared>>)
      } else {
      }
      %add3A_45 = arith.constant 6 : i32
      %add3A_46 = arith.addi %while3A_37, %add3A_45 : i32
      %lt3A = arith.cmpi slt, %add3A_46, %min3A_7 : i32
      %convert_element_type3A_47 = arith.extui %lt3A : i1 to i32
      %cond3A_48 = arith.constant 0 : i32
      %cond3A_49 = arith.cmpi ne, %convert_element_type3A_47, %cond3A_48 : i32
      scf.if %cond3A_49 {
        %add3A_74 = arith.constant 6 : i32
        %add3A_75 = arith.addi %while3A_37, %add3A_74 : i32
        %add3A_76 = arith.addi %add3A_75, %sub3A : i32
        %dma_start3A_77 = arith.constant 0 : i32
        %dma_start3A_78 = arith.constant 0 : i32
        %dma_start3A_79 = tpu.memref_slice %arg9[%rem3A_42, %dma_start3A_77, %dma_start3A_78] : memref<12x128x16xf32, #tpu.memory_space<vmem>> -> memref<1x128x16xf32, #tpu.memory_space<vmem>>
        %dma_start3A_80 = tpu.memref_squeeze %dma_start3A_79 : memref<1x128x16xf32, #tpu.memory_space<vmem>> -> memref<128x16xf32, #tpu.memory_space<vmem>>
        %dma_start3A_81 = arith.constant 0 : i32
        %dma_start3A_82 = tpu.memref_slice %arg7[%add3A_76, %dma_start3A_81] : memref<79x128xi32, #tpu.memory_space<vmem>> -> memref<1x128xi32, #tpu.memory_space<vmem>>
        %dma_start3A_83 = tpu.memref_squeeze %dma_start3A_82 : memref<1x128xi32, #tpu.memory_space<vmem>> -> memref<128xi32, #tpu.memory_space<vmem>>
        %dma_start3A_84 = arith.constant 0 : i32
        %dma_start3A_85 = arith.constant 0 : i32
        %dma_start3A_86 = tpu.memref_slice %arg2[%dma_start3A_84, %dma_start3A_85] : memref<10000x16xf32, #tpu.memory_space<hbm>> -> memref<10000x16xf32, #tpu.memory_space<hbm>>
        %dma_start3A_87 = tpu.memref_slice %arg10[%rem3A_42] : memref<12x!tpu.dma_semaphore, #tpu.memory_space<semaphore_mem>> -> memref<1x!tpu.dma_semaphore, #tpu.memory_space<semaphore_mem>>
        %dma_start3A_88 = tpu.memref_squeeze %dma_start3A_87 : memref<1x!tpu.dma_semaphore, #tpu.memory_space<semaphore_mem>> -> memref<!tpu.dma_semaphore, #tpu.memory_space<semaphore_mem>>
        tpu.enqueue_indirect_dma source(%dma_start3A_86 : memref<10000x16xf32, #tpu.memory_space<hbm>>) target(%dma_start3A_80 : memref<128x16xf32, #tpu.memory_space<vmem>>) offsets(%dma_start3A_83 : memref<128xi32, #tpu.memory_space<vmem>>) semaphore(%dma_start3A_88 : memref<!tpu.dma_semaphore, #tpu.memory_space<semaphore_mem>>)
      } else {
      }
      %add3A_50 = arith.addi %while3A_37, %sub3A : i32
      %dma_wait3A = arith.constant 0 : i32
      %dma_wait3A_51 = arith.constant 0 : i32
      %dma_wait3A_52 = tpu.memref_slice %arg9[%rem3A_38, %dma_wait3A, %dma_wait3A_51] : memref<12x128x16xf32, #tpu.memory_space<vmem>> -> memref<1x128x16xf32, #tpu.memory_space<vmem>>
      %dma_wait3A_53 = tpu.memref_squeeze %dma_wait3A_52 : memref<1x128x16xf32, #tpu.memory_space<vmem>> -> memref<128x16xf32, #tpu.memory_space<vmem>>
      %dma_wait3A_54 = arith.constant 0 : i32
      %dma_wait3A_55 = tpu.memref_slice %arg7[%add3A_50, %dma_wait3A_54] : memref<79x128xi32, #tpu.memory_space<vmem>> -> memref<1x128xi32, #tpu.memory_space<vmem>>
      %dma_wait3A_56 = tpu.memref_squeeze %dma_wait3A_55 : memref<1x128xi32, #tpu.memory_space<vmem>> -> memref<128xi32, #tpu.memory_space<vmem>>
      %dma_wait3A_57 = arith.constant 0 : i32
      %dma_wait3A_58 = arith.constant 0 : i32
      %dma_wait3A_59 = tpu.memref_slice %arg2[%dma_wait3A_57, %dma_wait3A_58] : memref<10000x16xf32, #tpu.memory_space<hbm>> -> memref<10000x16xf32, #tpu.memory_space<hbm>>
      %dma_wait3A_60 = tpu.memref_slice %arg10[%rem3A_38] : memref<12x!tpu.dma_semaphore, #tpu.memory_space<semaphore_mem>> -> memref<1x!tpu.dma_semaphore, #tpu.memory_space<semaphore_mem>>
      %dma_wait3A_61 = tpu.memref_squeeze %dma_wait3A_60 : memref<1x!tpu.dma_semaphore, #tpu.memory_space<semaphore_mem>> -> memref<!tpu.dma_semaphore, #tpu.memory_space<semaphore_mem>>
      tpu.wait_indirect_dma semaphore(%dma_wait3A_61 : memref<!tpu.dma_semaphore, #tpu.memory_space<semaphore_mem>>) src(%dma_wait3A_59 : memref<10000x16xf32, #tpu.memory_space<hbm>>) dst(%dma_wait3A_53 : memref<128x16xf32, #tpu.memory_space<vmem>>)
      %add3A_62 = arith.addi %while3A_37, %sub3A : i32
      %dma_start3A = arith.constant 0 : i32
      %dma_start3A_63 = arith.constant 0 : i32
      %dma_start3A_64 = tpu.memref_slice %arg9[%rem3A_38, %dma_start3A, %dma_start3A_63] : memref<12x128x16xf32, #tpu.memory_space<vmem>> -> memref<1x128x16xf32, #tpu.memory_space<vmem>>
      %dma_start3A_65 = tpu.memref_squeeze %dma_start3A_64 : memref<1x128x16xf32, #tpu.memory_space<vmem>> -> memref<128x16xf32, #tpu.memory_space<vmem>>
      %dma_start3A_66 = arith.constant 0 : i32
      %dma_start3A_67 = tpu.memref_slice %arg8[%add3A_62, %dma_start3A_66] : memref<79x128xi32, #tpu.memory_space<vmem>> -> memref<1x128xi32, #tpu.memory_space<vmem>>
      %dma_start3A_68 = tpu.memref_squeeze %dma_start3A_67 : memref<1x128xi32, #tpu.memory_space<vmem>> -> memref<128xi32, #tpu.memory_space<vmem>>
      %dma_start3A_69 = arith.constant 0 : i32
      %dma_start3A_70 = arith.constant 0 : i32
      %dma_start3A_71 = tpu.memref_slice %arg12[%dma_start3A_69, %dma_start3A_70] : memref<10240x16xf32, #tpu.memory_space<vmem_shared>> -> memref<10240x16xf32, #tpu.memory_space<vmem_shared>>
      %dma_start3A_72 = tpu.memref_slice %arg11[%rem3A_38] : memref<12x!tpu.dma_semaphore, #tpu.memory_space<semaphore_mem>> -> memref<1x!tpu.dma_semaphore, #tpu.memory_space<semaphore_mem>>
      %dma_start3A_73 = tpu.memref_squeeze %dma_start3A_72 : memref<1x!tpu.dma_semaphore, #tpu.memory_space<semaphore_mem>> -> memref<!tpu.dma_semaphore, #tpu.memory_space<semaphore_mem>>
      tpu.enqueue_indirect_dma source(%dma_start3A_65 : memref<128x16xf32, #tpu.memory_space<vmem>>) target(%dma_start3A_71 : memref<10240x16xf32, #tpu.memory_space<vmem_shared>>) offsets(%dma_start3A_68 : memref<128xi32, #tpu.memory_space<vmem>>) semaphore(%dma_start3A_73 : memref<!tpu.dma_semaphore, #tpu.memory_space<semaphore_mem>>) {add = true}
    }
    %scan3A_26 = arith.constant 0 : i32
    %scan3A_27 = arith.constant 0 : i32
    %scan3A_28 = arith.constant 6 : i32
    %scan3A_29 = arith.addi %scan3A_27, %scan3A_28 : i32
    %scan3A_30 = arith.constant 1 : i32
    scf.for %scan3A_37 = %scan3A_27 to %scan3A_29 step %scan3A_30  : i32 {
      %sub3A_38 = arith.constant 6 : i32
      %sub3A_39 = arith.subi %min3A_7, %sub3A_38 : i32
      %add3A_40 = arith.addi %sub3A_39, %scan3A_37 : i32
      %ge3A = arith.constant 0 : i32
      %ge3A_41 = arith.cmpi sge, %add3A_40, %ge3A : i32
      %convert_element_type3A = arith.extui %ge3A_41 : i1 to i32
      %cond3A = arith.constant 0 : i32
      %cond3A_42 = arith.cmpi ne, %convert_element_type3A, %cond3A : i32
      scf.if %cond3A_42 {
        %rem3A = arith.constant 12 : i32
        %rem3A_43 = arith.remsi %add3A_40, %rem3A : i32
        %add3A_44 = arith.addi %add3A_40, %sub3A : i32
        %rem3A_45 = arith.constant 12 : i32
        %rem3A_46 = arith.remsi %add3A_40, %rem3A_45 : i32
        %dma_wait3A = arith.constant 0 : i32
        %dma_wait3A_47 = arith.constant 0 : i32
        %dma_wait3A_48 = tpu.memref_slice %arg9[%rem3A_43, %dma_wait3A, %dma_wait3A_47] : memref<12x128x16xf32, #tpu.memory_space<vmem>> -> memref<1x128x16xf32, #tpu.memory_space<vmem>>
        %dma_wait3A_49 = tpu.memref_squeeze %dma_wait3A_48 : memref<1x128x16xf32, #tpu.memory_space<vmem>> -> memref<128x16xf32, #tpu.memory_space<vmem>>
        %dma_wait3A_50 = arith.constant 0 : i32
        %dma_wait3A_51 = tpu.memref_slice %arg8[%add3A_44, %dma_wait3A_50] : memref<79x128xi32, #tpu.memory_space<vmem>> -> memref<1x128xi32, #tpu.memory_space<vmem>>
        %dma_wait3A_52 = tpu.memref_squeeze %dma_wait3A_51 : memref<1x128xi32, #tpu.memory_space<vmem>> -> memref<128xi32, #tpu.memory_space<vmem>>
        %dma_wait3A_53 = arith.constant 0 : i32
        %dma_wait3A_54 = arith.constant 0 : i32
        %dma_wait3A_55 = tpu.memref_slice %arg12[%dma_wait3A_53, %dma_wait3A_54] : memref<10240x16xf32, #tpu.memory_space<vmem_shared>> -> memref<10240x16xf32, #tpu.memory_space<vmem_shared>>
        %dma_wait3A_56 = tpu.memref_slice %arg11[%rem3A_46] : memref<12x!tpu.dma_semaphore, #tpu.memory_space<semaphore_mem>> -> memref<1x!tpu.dma_semaphore, #tpu.memory_space<semaphore_mem>>
        %dma_wait3A_57 = tpu.memref_squeeze %dma_wait3A_56 : memref<1x!tpu.dma_semaphore, #tpu.memory_space<semaphore_mem>> -> memref<!tpu.dma_semaphore, #tpu.memory_space<semaphore_mem>>
        tpu.wait_indirect_dma semaphore(%dma_wait3A_57 : memref<!tpu.dma_semaphore, #tpu.memory_space<semaphore_mem>>) src(%dma_wait3A_49 : memref<128x16xf32, #tpu.memory_space<vmem>>) dst(%dma_wait3A_55 : memref<10240x16xf32, #tpu.memory_space<vmem_shared>>)
      } else {
      }
    }
    %scan3A_31 = arith.constant 6 : i32
    %barrier3A_32 = arith.constant 0 : index
    tpu.barrier barrier_id(%barrier3A_32)
    %mul3A_33 = arith.constant 640 : i32
    %mul3A_34 = arith.muli %arg1, %mul3A_33 : i32
    %mul3A_35 = arith.constant 640 : i32
    %mul3A_36 = arith.muli %arg1, %mul3A_35 : i32
    "tpu.region"() ({
      %run_scoped3A = tpu.sem_alloc : memref<!tpu.dma_semaphore, #tpu.memory_space<semaphore_mem>>
      %dma_start3A = arith.constant 0 : i32
      %dma_start3A_37 = tpu.memref_slice %arg6[%arg0, %mul3A_36, %dma_start3A] : memref<2x10240x16xf32, #tpu.memory_space<hbm>> -> memref<1x640x16xf32, #tpu.memory_space<hbm>>
      %dma_start3A_38 = tpu.memref_squeeze %dma_start3A_37 : memref<1x640x16xf32, #tpu.memory_space<hbm>> -> memref<640x16xf32, #tpu.memory_space<hbm>>
      %dma_start3A_39 = arith.constant 0 : i32
      %dma_start3A_40 = tpu.memref_slice %arg12[%mul3A_34, %dma_start3A_39] : memref<10240x16xf32, #tpu.memory_space<vmem_shared>> -> memref<640x16xf32, #tpu.memory_space<vmem_shared>>
      tpu.enqueue_dma source(%dma_start3A_40 : memref<640x16xf32, #tpu.memory_space<vmem_shared>>) target(%dma_start3A_38 : memref<640x16xf32, #tpu.memory_space<hbm>>) target_semaphore(%run_scoped3A : memref<!tpu.dma_semaphore, #tpu.memory_space<semaphore_mem>>)
      %dma_wait3A = arith.constant 0 : i32
      %dma_wait3A_41 = tpu.memref_slice %arg6[%arg0, %mul3A_36, %dma_wait3A] : memref<2x10240x16xf32, #tpu.memory_space<hbm>> -> memref<1x640x16xf32, #tpu.memory_space<hbm>>
      %dma_wait3A_42 = tpu.memref_squeeze %dma_wait3A_41 : memref<1x640x16xf32, #tpu.memory_space<hbm>> -> memref<640x16xf32, #tpu.memory_space<hbm>>
      %dma_wait3A_43 = arith.constant 0 : i32
      %dma_wait3A_44 = tpu.memref_slice %arg12[%mul3A_34, %dma_wait3A_43] : memref<10240x16xf32, #tpu.memory_space<vmem_shared>> -> memref<640x16xf32, #tpu.memory_space<vmem_shared>>
      tpu.wait_dma2 semaphore(%run_scoped3A : memref<!tpu.dma_semaphore, #tpu.memory_space<semaphore_mem>>) src(%dma_wait3A_44 : memref<640x16xf32, #tpu.memory_space<vmem_shared>>) dst(%dma_wait3A_42 : memref<640x16xf32, #tpu.memory_space<hbm>>)
      tpu.yield
    }) : () -> ()
    return
  }
}

#map = affine_map<(d0, d1) -> (0, 0)>
#map1 = affine_map<(d0, d1) -> (0, 0, 0)>
module attributes {stable_mosaic.version = 14 : i64} {
  func.func @_sc_deg_body(%arg0: i32, %arg1: i32, %arg2: memref<2500x128xi32, #tpu.memory_space<hbm>>, %arg3: memref<10240x16xf32, #tpu.memory_space<hbm>>, %arg4: memref<128x16xf32, #tpu.memory_space<hbm>>, %arg5: memref<2x10240x16xf32, #tpu.memory_space<hbm>>, %arg6: memref<128x16xf32, #tpu.memory_space<vmem>>, %arg7: memref<79x128xi32, #tpu.memory_space<vmem>>, %arg8: memref<!tpu.dma_semaphore, #tpu.memory_space<semaphore_mem>>, %arg9: memref<10240x16xf32, #tpu.memory_space<vmem_shared>>) attributes {dimension_semantics = [#tpu.dimension_semantics<core_parallel>, #tpu.dimension_semantics<subcore_parallel>], iteration_bounds = array<i64: 2, 16>, scalar_prefetch = 0 : i64, scratch_operands = 4 : i64, tpu.core_type = #tpu.core_type<sc_vector_subcore>, window_params = [{transform_indices = #map}, {transform_indices = #map}, {transform_indices = #map}, {transform_indices = #map1}]} {
    %mul3A = arith.constant 2 : i32
    %mul3A_0 = arith.muli %arg1, %mul3A : i32
    %add3A = arith.addi %mul3A_0, %arg0 : i32
    %mul3A_1 = arith.constant 79 : i32
    %mul3A_2 = arith.muli %add3A, %mul3A_1 : i32
    %min3A = arith.constant 2421 : i32
    %min3A_3 = arith.minsi %mul3A_2, %min3A : i32
    %sub3A = arith.subi %mul3A_2, %min3A_3 : i32
    %sub3A_4 = arith.constant 2500 : i32
    %sub3A_5 = arith.subi %sub3A_4, %mul3A_2 : i32
    %min3A_6 = arith.constant 79 : i32
    %min3A_7 = arith.minsi %min3A_6, %sub3A_5 : i32
    %mul3A_8 = arith.constant 640 : i32
    %mul3A_9 = arith.muli %arg1, %mul3A_8 : i32
    %mul3A_10 = arith.constant 640 : i32
    %mul3A_11 = arith.muli %arg1, %mul3A_10 : i32
    "tpu.region"() ({
      %run_scoped3A = tpu.sem_alloc : memref<!tpu.dma_semaphore, #tpu.memory_space<semaphore_mem>>
      %dma_start3A = arith.constant 0 : i32
      %dma_start3A_36 = tpu.memref_slice %arg9[%mul3A_11, %dma_start3A] : memref<10240x16xf32, #tpu.memory_space<vmem_shared>> -> memref<640x16xf32, #tpu.memory_space<vmem_shared>>
      %dma_start3A_37 = arith.constant 0 : i32
      %dma_start3A_38 = tpu.memref_slice %arg3[%mul3A_9, %dma_start3A_37] : memref<10240x16xf32, #tpu.memory_space<hbm>> -> memref<640x16xf32, #tpu.memory_space<hbm>>
      tpu.enqueue_dma source(%dma_start3A_38 : memref<640x16xf32, #tpu.memory_space<hbm>>) target(%dma_start3A_36 : memref<640x16xf32, #tpu.memory_space<vmem_shared>>) target_semaphore(%run_scoped3A : memref<!tpu.dma_semaphore, #tpu.memory_space<semaphore_mem>>)
      %dma_wait3A = arith.constant 0 : i32
      %dma_wait3A_39 = tpu.memref_slice %arg9[%mul3A_11, %dma_wait3A] : memref<10240x16xf32, #tpu.memory_space<vmem_shared>> -> memref<640x16xf32, #tpu.memory_space<vmem_shared>>
      %dma_wait3A_40 = arith.constant 0 : i32
      %dma_wait3A_41 = tpu.memref_slice %arg3[%mul3A_9, %dma_wait3A_40] : memref<10240x16xf32, #tpu.memory_space<hbm>> -> memref<640x16xf32, #tpu.memory_space<hbm>>
      tpu.wait_dma2 semaphore(%run_scoped3A : memref<!tpu.dma_semaphore, #tpu.memory_space<semaphore_mem>>) src(%dma_wait3A_41 : memref<640x16xf32, #tpu.memory_space<hbm>>) dst(%dma_wait3A_39 : memref<640x16xf32, #tpu.memory_space<vmem_shared>>)
      tpu.yield
    }) : () -> ()
    "tpu.region"() ({
      %run_scoped3A = tpu.sem_alloc : memref<!tpu.dma_semaphore, #tpu.memory_space<semaphore_mem>>
      tpu.enqueue_dma source(%arg4 : memref<128x16xf32, #tpu.memory_space<hbm>>) target(%arg6 : memref<128x16xf32, #tpu.memory_space<vmem>>) target_semaphore(%run_scoped3A : memref<!tpu.dma_semaphore, #tpu.memory_space<semaphore_mem>>)
      tpu.wait_dma2 semaphore(%run_scoped3A : memref<!tpu.dma_semaphore, #tpu.memory_space<semaphore_mem>>) src(%arg4 : memref<128x16xf32, #tpu.memory_space<hbm>>) dst(%arg6 : memref<128x16xf32, #tpu.memory_space<vmem>>)
      tpu.yield
    }) : () -> ()
    "tpu.region"() ({
      %run_scoped3A = tpu.sem_alloc : memref<!tpu.dma_semaphore, #tpu.memory_space<semaphore_mem>>
      %dma_start3A = arith.constant 0 : i32
      %dma_start3A_36 = tpu.memref_slice %arg2[%min3A_3, %dma_start3A] : memref<2500x128xi32, #tpu.memory_space<hbm>> -> memref<79x128xi32, #tpu.memory_space<hbm>>
      %dma_start3A_37 = arith.constant 0 : i32
      %dma_start3A_38 = tpu.memref_slice %arg2[%min3A_3, %dma_start3A_37] : memref<2500x128xi32, #tpu.memory_space<hbm>> -> memref<79x128xi32, #tpu.memory_space<hbm>>
      tpu.enqueue_dma source(%dma_start3A_38 : memref<79x128xi32, #tpu.memory_space<hbm>>) target(%arg7 : memref<79x128xi32, #tpu.memory_space<vmem>>) target_semaphore(%run_scoped3A : memref<!tpu.dma_semaphore, #tpu.memory_space<semaphore_mem>>)
      %dma_wait3A = arith.constant 0 : i32
      %dma_wait3A_39 = tpu.memref_slice %arg2[%min3A_3, %dma_wait3A] : memref<2500x128xi32, #tpu.memory_space<hbm>> -> memref<79x128xi32, #tpu.memory_space<hbm>>
      %dma_wait3A_40 = arith.constant 0 : i32
      %dma_wait3A_41 = tpu.memref_slice %arg2[%min3A_3, %dma_wait3A_40] : memref<2500x128xi32, #tpu.memory_space<hbm>> -> memref<79x128xi32, #tpu.memory_space<hbm>>
      tpu.wait_dma2 semaphore(%run_scoped3A : memref<!tpu.dma_semaphore, #tpu.memory_space<semaphore_mem>>) src(%dma_wait3A_41 : memref<79x128xi32, #tpu.memory_space<hbm>>) dst(%arg7 : memref<79x128xi32, #tpu.memory_space<vmem>>)
      tpu.yield
    }) : () -> ()
    %barrier3A = arith.constant 0 : index
    tpu.barrier barrier_id(%barrier3A)
    %while3A = arith.constant 0 : i32
    %while3A_12 = arith.constant 0 : i32
    %while3A_13 = arith.subi %min3A_7, %while3A_12 : i32
    %while3A_14 = arith.addi %while3A_12, %while3A_13 : i32
    %while3A_15 = arith.constant 1 : i32
    %while3A_16 = arith.divsi %while3A_13, %while3A_15 : i32
    %while3A_17 = arith.muli %while3A_16, %while3A_15 : i32
    %while3A_18 = arith.addi %while3A_12, %while3A_17 : i32
    %while3A_19 = arith.constant 1 : i32
    scf.for %while3A_36 = %while3A_12 to %while3A_18 step %while3A_19  : i32 {
      %add3A_37 = arith.addi %while3A_36, %sub3A : i32
      %dma_start3A = arith.constant 0 : i32
      %dma_start3A_38 = tpu.memref_slice %arg7[%add3A_37, %dma_start3A] : memref<79x128xi32, #tpu.memory_space<vmem>> -> memref<1x128xi32, #tpu.memory_space<vmem>>
      %dma_start3A_39 = tpu.memref_squeeze %dma_start3A_38 : memref<1x128xi32, #tpu.memory_space<vmem>> -> memref<128xi32, #tpu.memory_space<vmem>>
      %dma_start3A_40 = arith.constant 0 : i32
      %dma_start3A_41 = arith.constant 0 : i32
      %dma_start3A_42 = tpu.memref_slice %arg9[%dma_start3A_40, %dma_start3A_41] : memref<10240x16xf32, #tpu.memory_space<vmem_shared>> -> memref<10240x16xf32, #tpu.memory_space<vmem_shared>>
      tpu.enqueue_indirect_dma source(%arg6 : memref<128x16xf32, #tpu.memory_space<vmem>>) target(%dma_start3A_42 : memref<10240x16xf32, #tpu.memory_space<vmem_shared>>) offsets(%dma_start3A_39 : memref<128xi32, #tpu.memory_space<vmem>>) semaphore(%arg8 : memref<!tpu.dma_semaphore, #tpu.memory_space<semaphore_mem>>) {add = true}
    }
    %while3A_20 = arith.constant 1 : i32
    scf.for %while3A_36 = %while3A_18 to %while3A_14 step %while3A_20  : i32 {
      %add3A_37 = arith.addi %while3A_36, %sub3A : i32
      %dma_start3A = arith.constant 0 : i32
      %dma_start3A_38 = tpu.memref_slice %arg7[%add3A_37, %dma_start3A] : memref<79x128xi32, #tpu.memory_space<vmem>> -> memref<1x128xi32, #tpu.memory_space<vmem>>
      %dma_start3A_39 = tpu.memref_squeeze %dma_start3A_38 : memref<1x128xi32, #tpu.memory_space<vmem>> -> memref<128xi32, #tpu.memory_space<vmem>>
      %dma_start3A_40 = arith.constant 0 : i32
      %dma_start3A_41 = arith.constant 0 : i32
      %dma_start3A_42 = tpu.memref_slice %arg9[%dma_start3A_40, %dma_start3A_41] : memref<10240x16xf32, #tpu.memory_space<vmem_shared>> -> memref<10240x16xf32, #tpu.memory_space<vmem_shared>>
      tpu.enqueue_indirect_dma source(%arg6 : memref<128x16xf32, #tpu.memory_space<vmem>>) target(%dma_start3A_42 : memref<10240x16xf32, #tpu.memory_space<vmem_shared>>) offsets(%dma_start3A_39 : memref<128xi32, #tpu.memory_space<vmem>>) semaphore(%arg8 : memref<!tpu.dma_semaphore, #tpu.memory_space<semaphore_mem>>) {add = true}
    }
    %while3A_21 = arith.constant 0 : i32
    %while3A_22 = arith.constant 0 : i32
    %while3A_23 = arith.subi %min3A_7, %while3A_22 : i32
    %while3A_24 = arith.addi %while3A_22, %while3A_23 : i32
    %while3A_25 = arith.constant 1 : i32
    %while3A_26 = arith.divsi %while3A_23, %while3A_25 : i32
    %while3A_27 = arith.muli %while3A_26, %while3A_25 : i32
    %while3A_28 = arith.addi %while3A_22, %while3A_27 : i32
    %while3A_29 = arith.constant 1 : i32
    scf.for %while3A_36 = %while3A_22 to %while3A_28 step %while3A_29  : i32 {
      %add3A_37 = arith.addi %while3A_36, %sub3A : i32
      %dma_wait3A = arith.constant 0 : i32
      %dma_wait3A_38 = tpu.memref_slice %arg7[%add3A_37, %dma_wait3A] : memref<79x128xi32, #tpu.memory_space<vmem>> -> memref<1x128xi32, #tpu.memory_space<vmem>>
      %dma_wait3A_39 = tpu.memref_squeeze %dma_wait3A_38 : memref<1x128xi32, #tpu.memory_space<vmem>> -> memref<128xi32, #tpu.memory_space<vmem>>
      %dma_wait3A_40 = arith.constant 0 : i32
      %dma_wait3A_41 = arith.constant 0 : i32
      %dma_wait3A_42 = tpu.memref_slice %arg9[%dma_wait3A_40, %dma_wait3A_41] : memref<10240x16xf32, #tpu.memory_space<vmem_shared>> -> memref<10240x16xf32, #tpu.memory_space<vmem_shared>>
      tpu.wait_indirect_dma semaphore(%arg8 : memref<!tpu.dma_semaphore, #tpu.memory_space<semaphore_mem>>) src(%arg6 : memref<128x16xf32, #tpu.memory_space<vmem>>) dst(%dma_wait3A_42 : memref<10240x16xf32, #tpu.memory_space<vmem_shared>>)
    }
    %while3A_30 = arith.constant 1 : i32
    scf.for %while3A_36 = %while3A_28 to %while3A_24 step %while3A_30  : i32 {
      %add3A_37 = arith.addi %while3A_36, %sub3A : i32
      %dma_wait3A = arith.constant 0 : i32
      %dma_wait3A_38 = tpu.memref_slice %arg7[%add3A_37, %dma_wait3A] : memref<79x128xi32, #tpu.memory_space<vmem>> -> memref<1x128xi32, #tpu.memory_space<vmem>>
      %dma_wait3A_39 = tpu.memref_squeeze %dma_wait3A_38 : memref<1x128xi32, #tpu.memory_space<vmem>> -> memref<128xi32, #tpu.memory_space<vmem>>
      %dma_wait3A_40 = arith.constant 0 : i32
      %dma_wait3A_41 = arith.constant 0 : i32
      %dma_wait3A_42 = tpu.memref_slice %arg9[%dma_wait3A_40, %dma_wait3A_41] : memref<10240x16xf32, #tpu.memory_space<vmem_shared>> -> memref<10240x16xf32, #tpu.memory_space<vmem_shared>>
      tpu.wait_indirect_dma semaphore(%arg8 : memref<!tpu.dma_semaphore, #tpu.memory_space<semaphore_mem>>) src(%arg6 : memref<128x16xf32, #tpu.memory_space<vmem>>) dst(%dma_wait3A_42 : memref<10240x16xf32, #tpu.memory_space<vmem_shared>>)
    }
    %barrier3A_31 = arith.constant 0 : index
    tpu.barrier barrier_id(%barrier3A_31)
    %mul3A_32 = arith.constant 640 : i32
    %mul3A_33 = arith.muli %arg1, %mul3A_32 : i32
    %mul3A_34 = arith.constant 640 : i32
    %mul3A_35 = arith.muli %arg1, %mul3A_34 : i32
    "tpu.region"() ({
      %run_scoped3A = tpu.sem_alloc : memref<!tpu.dma_semaphore, #tpu.memory_space<semaphore_mem>>
      %dma_start3A = arith.constant 0 : i32
      %dma_start3A_36 = tpu.memref_slice %arg5[%arg0, %mul3A_35, %dma_start3A] : memref<2x10240x16xf32, #tpu.memory_space<hbm>> -> memref<1x640x16xf32, #tpu.memory_space<hbm>>
      %dma_start3A_37 = tpu.memref_squeeze %dma_start3A_36 : memref<1x640x16xf32, #tpu.memory_space<hbm>> -> memref<640x16xf32, #tpu.memory_space<hbm>>
      %dma_start3A_38 = arith.constant 0 : i32
      %dma_start3A_39 = tpu.memref_slice %arg9[%mul3A_33, %dma_start3A_38] : memref<10240x16xf32, #tpu.memory_space<vmem_shared>> -> memref<640x16xf32, #tpu.memory_space<vmem_shared>>
      tpu.enqueue_dma source(%dma_start3A_39 : memref<640x16xf32, #tpu.memory_space<vmem_shared>>) target(%dma_start3A_37 : memref<640x16xf32, #tpu.memory_space<hbm>>) target_semaphore(%run_scoped3A : memref<!tpu.dma_semaphore, #tpu.memory_space<semaphore_mem>>)
      %dma_wait3A = arith.constant 0 : i32
      %dma_wait3A_40 = tpu.memref_slice %arg5[%arg0, %mul3A_35, %dma_wait3A] : memref<2x10240x16xf32, #tpu.memory_space<hbm>> -> memref<1x640x16xf32, #tpu.memory_space<hbm>>
      %dma_wait3A_41 = tpu.memref_squeeze %dma_wait3A_40 : memref<1x640x16xf32, #tpu.memory_space<hbm>> -> memref<640x16xf32, #tpu.memory_space<hbm>>
      %dma_wait3A_42 = arith.constant 0 : i32
      %dma_wait3A_43 = tpu.memref_slice %arg9[%mul3A_33, %dma_wait3A_42] : memref<10240x16xf32, #tpu.memory_space<vmem_shared>> -> memref<640x16xf32, #tpu.memory_space<vmem_shared>>
      tpu.wait_dma2 semaphore(%run_scoped3A : memref<!tpu.dma_semaphore, #tpu.memory_space<semaphore_mem>>) src(%dma_wait3A_43 : memref<640x16xf32, #tpu.memory_space<vmem_shared>>) dst(%dma_wait3A_41 : memref<640x16xf32, #tpu.memory_space<hbm>>)
      tpu.yield
    }) : () -> ()
    return
  }
}

#map = affine_map<(d0, d1) -> (0, 0)>
#map1 = affine_map<(d0, d1) -> (0, 0, 0)>
module attributes {stable_mosaic.version = 14 : i64} {
  func.func @_sc_prop_body(%arg0: i32, %arg1: i32, %arg2: memref<10000x16xf32, #tpu.memory_space<hbm>>, %arg3: memref<2500x128xi32, #tpu.memory_space<hbm>>, %arg4: memref<2500x128xi32, #tpu.memory_space<hbm>>, %arg5: memref<10240x16xf32, #tpu.memory_space<hbm>>, %arg6: memref<2x10240x16xf32, #tpu.memory_space<hbm>>, %arg7: memref<79x128xi32, #tpu.memory_space<vmem>>, %arg8: memref<79x128xi32, #tpu.memory_space<vmem>>, %arg9: memref<12x128x16xf32, #tpu.memory_space<vmem>>, %arg10: memref<12x!tpu.dma_semaphore, #tpu.memory_space<semaphore_mem>>, %arg11: memref<12x!tpu.dma_semaphore, #tpu.memory_space<semaphore_mem>>, %arg12: memref<10240x16xf32, #tpu.memory_space<vmem_shared>>) attributes {dimension_semantics = [#tpu.dimension_semantics<core_parallel>, #tpu.dimension_semantics<subcore_parallel>], iteration_bounds = array<i64: 2, 16>, scalar_prefetch = 0 : i64, scratch_operands = 6 : i64, tpu.core_type = #tpu.core_type<sc_vector_subcore>, window_params = [{transform_indices = #map}, {transform_indices = #map}, {transform_indices = #map}, {transform_indices = #map}, {transform_indices = #map1}]} {
    %mul3A = arith.constant 2 : i32
    %mul3A_0 = arith.muli %arg1, %mul3A : i32
    %add3A = arith.addi %mul3A_0, %arg0 : i32
    %mul3A_1 = arith.constant 79 : i32
    %mul3A_2 = arith.muli %add3A, %mul3A_1 : i32
    %min3A = arith.constant 2421 : i32
    %min3A_3 = arith.minsi %mul3A_2, %min3A : i32
    %sub3A = arith.subi %mul3A_2, %min3A_3 : i32
    %sub3A_4 = arith.constant 2500 : i32
    %sub3A_5 = arith.subi %sub3A_4, %mul3A_2 : i32
    %min3A_6 = arith.constant 79 : i32
    %min3A_7 = arith.minsi %min3A_6, %sub3A_5 : i32
    %mul3A_8 = arith.constant 640 : i32
    %mul3A_9 = arith.muli %arg1, %mul3A_8 : i32
    %mul3A_10 = arith.constant 640 : i32
    %mul3A_11 = arith.muli %arg1, %mul3A_10 : i32
    "tpu.region"() ({
      %run_scoped3A = tpu.sem_alloc : memref<!tpu.dma_semaphore, #tpu.memory_space<semaphore_mem>>
      %dma_start3A = arith.constant 0 : i32
      %dma_start3A_37 = tpu.memref_slice %arg12[%mul3A_11, %dma_start3A] : memref<10240x16xf32, #tpu.memory_space<vmem_shared>> -> memref<640x16xf32, #tpu.memory_space<vmem_shared>>
      %dma_start3A_38 = arith.constant 0 : i32
      %dma_start3A_39 = tpu.memref_slice %arg5[%mul3A_9, %dma_start3A_38] : memref<10240x16xf32, #tpu.memory_space<hbm>> -> memref<640x16xf32, #tpu.memory_space<hbm>>
      tpu.enqueue_dma source(%dma_start3A_39 : memref<640x16xf32, #tpu.memory_space<hbm>>) target(%dma_start3A_37 : memref<640x16xf32, #tpu.memory_space<vmem_shared>>) target_semaphore(%run_scoped3A : memref<!tpu.dma_semaphore, #tpu.memory_space<semaphore_mem>>)
      %dma_wait3A = arith.constant 0 : i32
      %dma_wait3A_40 = tpu.memref_slice %arg12[%mul3A_11, %dma_wait3A] : memref<10240x16xf32, #tpu.memory_space<vmem_shared>> -> memref<640x16xf32, #tpu.memory_space<vmem_shared>>
      %dma_wait3A_41 = arith.constant 0 : i32
      %dma_wait3A_42 = tpu.memref_slice %arg5[%mul3A_9, %dma_wait3A_41] : memref<10240x16xf32, #tpu.memory_space<hbm>> -> memref<640x16xf32, #tpu.memory_space<hbm>>
      tpu.wait_dma2 semaphore(%run_scoped3A : memref<!tpu.dma_semaphore, #tpu.memory_space<semaphore_mem>>) src(%dma_wait3A_42 : memref<640x16xf32, #tpu.memory_space<hbm>>) dst(%dma_wait3A_40 : memref<640x16xf32, #tpu.memory_space<vmem_shared>>)
      tpu.yield
    }) : () -> ()
    "tpu.region"() ({
      %run_scoped3A = tpu.sem_alloc : memref<!tpu.dma_semaphore, #tpu.memory_space<semaphore_mem>>
      %dma_start3A = arith.constant 0 : i32
      %dma_start3A_37 = tpu.memref_slice %arg3[%min3A_3, %dma_start3A] : memref<2500x128xi32, #tpu.memory_space<hbm>> -> memref<79x128xi32, #tpu.memory_space<hbm>>
      %dma_start3A_38 = arith.constant 0 : i32
      %dma_start3A_39 = tpu.memref_slice %arg3[%min3A_3, %dma_start3A_38] : memref<2500x128xi32, #tpu.memory_space<hbm>> -> memref<79x128xi32, #tpu.memory_space<hbm>>
      tpu.enqueue_dma source(%dma_start3A_39 : memref<79x128xi32, #tpu.memory_space<hbm>>) target(%arg7 : memref<79x128xi32, #tpu.memory_space<vmem>>) target_semaphore(%run_scoped3A : memref<!tpu.dma_semaphore, #tpu.memory_space<semaphore_mem>>)
      %dma_wait3A = arith.constant 0 : i32
      %dma_wait3A_40 = tpu.memref_slice %arg3[%min3A_3, %dma_wait3A] : memref<2500x128xi32, #tpu.memory_space<hbm>> -> memref<79x128xi32, #tpu.memory_space<hbm>>
      %dma_wait3A_41 = arith.constant 0 : i32
      %dma_wait3A_42 = tpu.memref_slice %arg3[%min3A_3, %dma_wait3A_41] : memref<2500x128xi32, #tpu.memory_space<hbm>> -> memref<79x128xi32, #tpu.memory_space<hbm>>
      tpu.wait_dma2 semaphore(%run_scoped3A : memref<!tpu.dma_semaphore, #tpu.memory_space<semaphore_mem>>) src(%dma_wait3A_42 : memref<79x128xi32, #tpu.memory_space<hbm>>) dst(%arg7 : memref<79x128xi32, #tpu.memory_space<vmem>>)
      tpu.yield
    }) : () -> ()
    "tpu.region"() ({
      %run_scoped3A = tpu.sem_alloc : memref<!tpu.dma_semaphore, #tpu.memory_space<semaphore_mem>>
      %dma_start3A = arith.constant 0 : i32
      %dma_start3A_37 = tpu.memref_slice %arg4[%min3A_3, %dma_start3A] : memref<2500x128xi32, #tpu.memory_space<hbm>> -> memref<79x128xi32, #tpu.memory_space<hbm>>
      %dma_start3A_38 = arith.constant 0 : i32
      %dma_start3A_39 = tpu.memref_slice %arg4[%min3A_3, %dma_start3A_38] : memref<2500x128xi32, #tpu.memory_space<hbm>> -> memref<79x128xi32, #tpu.memory_space<hbm>>
      tpu.enqueue_dma source(%dma_start3A_39 : memref<79x128xi32, #tpu.memory_space<hbm>>) target(%arg8 : memref<79x128xi32, #tpu.memory_space<vmem>>) target_semaphore(%run_scoped3A : memref<!tpu.dma_semaphore, #tpu.memory_space<semaphore_mem>>)
      %dma_wait3A = arith.constant 0 : i32
      %dma_wait3A_40 = tpu.memref_slice %arg4[%min3A_3, %dma_wait3A] : memref<2500x128xi32, #tpu.memory_space<hbm>> -> memref<79x128xi32, #tpu.memory_space<hbm>>
      %dma_wait3A_41 = arith.constant 0 : i32
      %dma_wait3A_42 = tpu.memref_slice %arg4[%min3A_3, %dma_wait3A_41] : memref<2500x128xi32, #tpu.memory_space<hbm>> -> memref<79x128xi32, #tpu.memory_space<hbm>>
      tpu.wait_dma2 semaphore(%run_scoped3A : memref<!tpu.dma_semaphore, #tpu.memory_space<semaphore_mem>>) src(%dma_wait3A_42 : memref<79x128xi32, #tpu.memory_space<hbm>>) dst(%arg8 : memref<79x128xi32, #tpu.memory_space<vmem>>)
      tpu.yield
    }) : () -> ()
    %barrier3A = arith.constant 0 : index
    tpu.barrier barrier_id(%barrier3A)
    %scan3A = arith.constant 0 : i32
    %scan3A_12 = arith.constant 0 : i32
    %scan3A_13 = arith.constant 6 : i32
    %scan3A_14 = arith.addi %scan3A_12, %scan3A_13 : i32
    %scan3A_15 = arith.constant 1 : i32
    scf.for %scan3A_37 = %scan3A_12 to %scan3A_14 step %scan3A_15  : i32 {
      %lt3A = arith.cmpi slt, %scan3A_37, %min3A_7 : i32
      %convert_element_type3A = arith.extui %lt3A : i1 to i32
      %cond3A = arith.constant 0 : i32
      %cond3A_38 = arith.cmpi ne, %convert_element_type3A, %cond3A : i32
      scf.if %cond3A_38 {
        %add3A_39 = arith.addi %scan3A_37, %sub3A : i32
        %dma_start3A = arith.constant 0 : i32
        %dma_start3A_40 = arith.constant 0 : i32
        %dma_start3A_41 = tpu.memref_slice %arg9[%scan3A_37, %dma_start3A, %dma_start3A_40] : memref<12x128x16xf32, #tpu.memory_space<vmem>> -> memref<1x128x16xf32, #tpu.memory_space<vmem>>
        %dma_start3A_42 = tpu.memref_squeeze %dma_start3A_41 : memref<1x128x16xf32, #tpu.memory_space<vmem>> -> memref<128x16xf32, #tpu.memory_space<vmem>>
        %dma_start3A_43 = arith.constant 0 : i32
        %dma_start3A_44 = tpu.memref_slice %arg7[%add3A_39, %dma_start3A_43] : memref<79x128xi32, #tpu.memory_space<vmem>> -> memref<1x128xi32, #tpu.memory_space<vmem>>
        %dma_start3A_45 = tpu.memref_squeeze %dma_start3A_44 : memref<1x128xi32, #tpu.memory_space<vmem>> -> memref<128xi32, #tpu.memory_space<vmem>>
        %dma_start3A_46 = arith.constant 0 : i32
        %dma_start3A_47 = arith.constant 0 : i32
        %dma_start3A_48 = tpu.memref_slice %arg2[%dma_start3A_46, %dma_start3A_47] : memref<10000x16xf32, #tpu.memory_space<hbm>> -> memref<10000x16xf32, #tpu.memory_space<hbm>>
        %dma_start3A_49 = tpu.memref_slice %arg10[%scan3A_37] : memref<12x!tpu.dma_semaphore, #tpu.memory_space<semaphore_mem>> -> memref<1x!tpu.dma_semaphore, #tpu.memory_space<semaphore_mem>>
        %dma_start3A_50 = tpu.memref_squeeze %dma_start3A_49 : memref<1x!tpu.dma_semaphore, #tpu.memory_space<semaphore_mem>> -> memref<!tpu.dma_semaphore, #tpu.memory_space<semaphore_mem>>
        tpu.enqueue_indirect_dma source(%dma_start3A_48 : memref<10000x16xf32, #tpu.memory_space<hbm>>) target(%dma_start3A_42 : memref<128x16xf32, #tpu.memory_space<vmem>>) offsets(%dma_start3A_45 : memref<128xi32, #tpu.memory_space<vmem>>) semaphore(%dma_start3A_50 : memref<!tpu.dma_semaphore, #tpu.memory_space<semaphore_mem>>)
      } else {
      }
    }
    %scan3A_16 = arith.constant 6 : i32
    %while3A = arith.constant 0 : i32
    %while3A_17 = arith.constant 0 : i32
    %while3A_18 = arith.subi %min3A_7, %while3A_17 : i32
    %while3A_19 = arith.addi %while3A_17, %while3A_18 : i32
    %while3A_20 = arith.constant 1 : i32
    %while3A_21 = arith.divsi %while3A_18, %while3A_20 : i32
    %while3A_22 = arith.muli %while3A_21, %while3A_20 : i32
    %while3A_23 = arith.addi %while3A_17, %while3A_22 : i32
    %while3A_24 = arith.constant 1 : i32
    scf.for %while3A_37 = %while3A_17 to %while3A_23 step %while3A_24  : i32 {
      %rem3A = arith.constant 12 : i32
      %rem3A_38 = arith.remsi %while3A_37, %rem3A : i32
      %add3A_39 = arith.constant 6 : i32
      %add3A_40 = arith.addi %while3A_37, %add3A_39 : i32
      %rem3A_41 = arith.constant 12 : i32
      %rem3A_42 = arith.remsi %add3A_40, %rem3A_41 : i32
      %ge3A = arith.constant 6 : i32
      %ge3A_43 = arith.cmpi sge, %while3A_37, %ge3A : i32
      %convert_element_type3A = arith.extui %ge3A_43 : i1 to i32
      %cond3A = arith.constant 0 : i32
      %cond3A_44 = arith.cmpi ne, %convert_element_type3A, %cond3A : i32
      scf.if %cond3A_44 {
        %sub3A_74 = arith.constant 6 : i32
        %sub3A_75 = arith.subi %while3A_37, %sub3A_74 : i32
        %add3A_76 = arith.addi %sub3A_75, %sub3A : i32
        %dma_wait3A_77 = arith.constant 0 : i32
        %dma_wait3A_78 = arith.constant 0 : i32
        %dma_wait3A_79 = tpu.memref_slice %arg9[%rem3A_42, %dma_wait3A_77, %dma_wait3A_78] : memref<12x128x16xf32, #tpu.memory_space<vmem>> -> memref<1x128x16xf32, #tpu.memory_space<vmem>>
        %dma_wait3A_80 = tpu.memref_squeeze %dma_wait3A_79 : memref<1x128x16xf32, #tpu.memory_space<vmem>> -> memref<128x16xf32, #tpu.memory_space<vmem>>
        %dma_wait3A_81 = arith.constant 0 : i32
        %dma_wait3A_82 = tpu.memref_slice %arg8[%add3A_76, %dma_wait3A_81] : memref<79x128xi32, #tpu.memory_space<vmem>> -> memref<1x128xi32, #tpu.memory_space<vmem>>
        %dma_wait3A_83 = tpu.memref_squeeze %dma_wait3A_82 : memref<1x128xi32, #tpu.memory_space<vmem>> -> memref<128xi32, #tpu.memory_space<vmem>>
        %dma_wait3A_84 = arith.constant 0 : i32
        %dma_wait3A_85 = arith.constant 0 : i32
        %dma_wait3A_86 = tpu.memref_slice %arg12[%dma_wait3A_84, %dma_wait3A_85] : memref<10240x16xf32, #tpu.memory_space<vmem_shared>> -> memref<10240x16xf32, #tpu.memory_space<vmem_shared>>
        %dma_wait3A_87 = tpu.memref_slice %arg11[%rem3A_42] : memref<12x!tpu.dma_semaphore, #tpu.memory_space<semaphore_mem>> -> memref<1x!tpu.dma_semaphore, #tpu.memory_space<semaphore_mem>>
        %dma_wait3A_88 = tpu.memref_squeeze %dma_wait3A_87 : memref<1x!tpu.dma_semaphore, #tpu.memory_space<semaphore_mem>> -> memref<!tpu.dma_semaphore, #tpu.memory_space<semaphore_mem>>
        tpu.wait_indirect_dma semaphore(%dma_wait3A_88 : memref<!tpu.dma_semaphore, #tpu.memory_space<semaphore_mem>>) src(%dma_wait3A_80 : memref<128x16xf32, #tpu.memory_space<vmem>>) dst(%dma_wait3A_86 : memref<10240x16xf32, #tpu.memory_space<vmem_shared>>)
      } else {
      }
      %add3A_45 = arith.constant 6 : i32
      %add3A_46 = arith.addi %while3A_37, %add3A_45 : i32
      %lt3A = arith.cmpi slt, %add3A_46, %min3A_7 : i32
      %convert_element_type3A_47 = arith.extui %lt3A : i1 to i32
      %cond3A_48 = arith.constant 0 : i32
      %cond3A_49 = arith.cmpi ne, %convert_element_type3A_47, %cond3A_48 : i32
      scf.if %cond3A_49 {
        %add3A_74 = arith.constant 6 : i32
        %add3A_75 = arith.addi %while3A_37, %add3A_74 : i32
        %add3A_76 = arith.addi %add3A_75, %sub3A : i32
        %dma_start3A_77 = arith.constant 0 : i32
        %dma_start3A_78 = arith.constant 0 : i32
        %dma_start3A_79 = tpu.memref_slice %arg9[%rem3A_42, %dma_start3A_77, %dma_start3A_78] : memref<12x128x16xf32, #tpu.memory_space<vmem>> -> memref<1x128x16xf32, #tpu.memory_space<vmem>>
        %dma_start3A_80 = tpu.memref_squeeze %dma_start3A_79 : memref<1x128x16xf32, #tpu.memory_space<vmem>> -> memref<128x16xf32, #tpu.memory_space<vmem>>
        %dma_start3A_81 = arith.constant 0 : i32
        %dma_start3A_82 = tpu.memref_slice %arg7[%add3A_76, %dma_start3A_81] : memref<79x128xi32, #tpu.memory_space<vmem>> -> memref<1x128xi32, #tpu.memory_space<vmem>>
        %dma_start3A_83 = tpu.memref_squeeze %dma_start3A_82 : memref<1x128xi32, #tpu.memory_space<vmem>> -> memref<128xi32, #tpu.memory_space<vmem>>
        %dma_start3A_84 = arith.constant 0 : i32
        %dma_start3A_85 = arith.constant 0 : i32
        %dma_start3A_86 = tpu.memref_slice %arg2[%dma_start3A_84, %dma_start3A_85] : memref<10000x16xf32, #tpu.memory_space<hbm>> -> memref<10000x16xf32, #tpu.memory_space<hbm>>
        %dma_start3A_87 = tpu.memref_slice %arg10[%rem3A_42] : memref<12x!tpu.dma_semaphore, #tpu.memory_space<semaphore_mem>> -> memref<1x!tpu.dma_semaphore, #tpu.memory_space<semaphore_mem>>
        %dma_start3A_88 = tpu.memref_squeeze %dma_start3A_87 : memref<1x!tpu.dma_semaphore, #tpu.memory_space<semaphore_mem>> -> memref<!tpu.dma_semaphore, #tpu.memory_space<semaphore_mem>>
        tpu.enqueue_indirect_dma source(%dma_start3A_86 : memref<10000x16xf32, #tpu.memory_space<hbm>>) target(%dma_start3A_80 : memref<128x16xf32, #tpu.memory_space<vmem>>) offsets(%dma_start3A_83 : memref<128xi32, #tpu.memory_space<vmem>>) semaphore(%dma_start3A_88 : memref<!tpu.dma_semaphore, #tpu.memory_space<semaphore_mem>>)
      } else {
      }
      %add3A_50 = arith.addi %while3A_37, %sub3A : i32
      %dma_wait3A = arith.constant 0 : i32
      %dma_wait3A_51 = arith.constant 0 : i32
      %dma_wait3A_52 = tpu.memref_slice %arg9[%rem3A_38, %dma_wait3A, %dma_wait3A_51] : memref<12x128x16xf32, #tpu.memory_space<vmem>> -> memref<1x128x16xf32, #tpu.memory_space<vmem>>
      %dma_wait3A_53 = tpu.memref_squeeze %dma_wait3A_52 : memref<1x128x16xf32, #tpu.memory_space<vmem>> -> memref<128x16xf32, #tpu.memory_space<vmem>>
      %dma_wait3A_54 = arith.constant 0 : i32
      %dma_wait3A_55 = tpu.memref_slice %arg7[%add3A_50, %dma_wait3A_54] : memref<79x128xi32, #tpu.memory_space<vmem>> -> memref<1x128xi32, #tpu.memory_space<vmem>>
      %dma_wait3A_56 = tpu.memref_squeeze %dma_wait3A_55 : memref<1x128xi32, #tpu.memory_space<vmem>> -> memref<128xi32, #tpu.memory_space<vmem>>
      %dma_wait3A_57 = arith.constant 0 : i32
      %dma_wait3A_58 = arith.constant 0 : i32
      %dma_wait3A_59 = tpu.memref_slice %arg2[%dma_wait3A_57, %dma_wait3A_58] : memref<10000x16xf32, #tpu.memory_space<hbm>> -> memref<10000x16xf32, #tpu.memory_space<hbm>>
      %dma_wait3A_60 = tpu.memref_slice %arg10[%rem3A_38] : memref<12x!tpu.dma_semaphore, #tpu.memory_space<semaphore_mem>> -> memref<1x!tpu.dma_semaphore, #tpu.memory_space<semaphore_mem>>
      %dma_wait3A_61 = tpu.memref_squeeze %dma_wait3A_60 : memref<1x!tpu.dma_semaphore, #tpu.memory_space<semaphore_mem>> -> memref<!tpu.dma_semaphore, #tpu.memory_space<semaphore_mem>>
      tpu.wait_indirect_dma semaphore(%dma_wait3A_61 : memref<!tpu.dma_semaphore, #tpu.memory_space<semaphore_mem>>) src(%dma_wait3A_59 : memref<10000x16xf32, #tpu.memory_space<hbm>>) dst(%dma_wait3A_53 : memref<128x16xf32, #tpu.memory_space<vmem>>)
      %add3A_62 = arith.addi %while3A_37, %sub3A : i32
      %dma_start3A = arith.constant 0 : i32
      %dma_start3A_63 = arith.constant 0 : i32
      %dma_start3A_64 = tpu.memref_slice %arg9[%rem3A_38, %dma_start3A, %dma_start3A_63] : memref<12x128x16xf32, #tpu.memory_space<vmem>> -> memref<1x128x16xf32, #tpu.memory_space<vmem>>
      %dma_start3A_65 = tpu.memref_squeeze %dma_start3A_64 : memref<1x128x16xf32, #tpu.memory_space<vmem>> -> memref<128x16xf32, #tpu.memory_space<vmem>>
      %dma_start3A_66 = arith.constant 0 : i32
      %dma_start3A_67 = tpu.memref_slice %arg8[%add3A_62, %dma_start3A_66] : memref<79x128xi32, #tpu.memory_space<vmem>> -> memref<1x128xi32, #tpu.memory_space<vmem>>
      %dma_start3A_68 = tpu.memref_squeeze %dma_start3A_67 : memref<1x128xi32, #tpu.memory_space<vmem>> -> memref<128xi32, #tpu.memory_space<vmem>>
      %dma_start3A_69 = arith.constant 0 : i32
      %dma_start3A_70 = arith.constant 0 : i32
      %dma_start3A_71 = tpu.memref_slice %arg12[%dma_start3A_69, %dma_start3A_70] : memref<10240x16xf32, #tpu.memory_space<vmem_shared>> -> memref<10240x16xf32, #tpu.memory_space<vmem_shared>>
      %dma_start3A_72 = tpu.memref_slice %arg11[%rem3A_38] : memref<12x!tpu.dma_semaphore, #tpu.memory_space<semaphore_mem>> -> memref<1x!tpu.dma_semaphore, #tpu.memory_space<semaphore_mem>>
      %dma_start3A_73 = tpu.memref_squeeze %dma_start3A_72 : memref<1x!tpu.dma_semaphore, #tpu.memory_space<semaphore_mem>> -> memref<!tpu.dma_semaphore, #tpu.memory_space<semaphore_mem>>
      tpu.enqueue_indirect_dma source(%dma_start3A_65 : memref<128x16xf32, #tpu.memory_space<vmem>>) target(%dma_start3A_71 : memref<10240x16xf32, #tpu.memory_space<vmem_shared>>) offsets(%dma_start3A_68 : memref<128xi32, #tpu.memory_space<vmem>>) semaphore(%dma_start3A_73 : memref<!tpu.dma_semaphore, #tpu.memory_space<semaphore_mem>>) {add = true}
    }
    %while3A_25 = arith.constant 1 : i32
    scf.for %while3A_37 = %while3A_23 to %while3A_19 step %while3A_25  : i32 {
      %rem3A = arith.constant 12 : i32
      %rem3A_38 = arith.remsi %while3A_37, %rem3A : i32
      %add3A_39 = arith.constant 6 : i32
      %add3A_40 = arith.addi %while3A_37, %add3A_39 : i32
      %rem3A_41 = arith.constant 12 : i32
      %rem3A_42 = arith.remsi %add3A_40, %rem3A_41 : i32
      %ge3A = arith.constant 6 : i32
      %ge3A_43 = arith.cmpi sge, %while3A_37, %ge3A : i32
      %convert_element_type3A = arith.extui %ge3A_43 : i1 to i32
      %cond3A = arith.constant 0 : i32
      %cond3A_44 = arith.cmpi ne, %convert_element_type3A, %cond3A : i32
      scf.if %cond3A_44 {
        %sub3A_74 = arith.constant 6 : i32
        %sub3A_75 = arith.subi %while3A_37, %sub3A_74 : i32
        %add3A_76 = arith.addi %sub3A_75, %sub3A : i32
        %dma_wait3A_77 = arith.constant 0 : i32
        %dma_wait3A_78 = arith.constant 0 : i32
        %dma_wait3A_79 = tpu.memref_slice %arg9[%rem3A_42, %dma_wait3A_77, %dma_wait3A_78] : memref<12x128x16xf32, #tpu.memory_space<vmem>> -> memref<1x128x16xf32, #tpu.memory_space<vmem>>
        %dma_wait3A_80 = tpu.memref_squeeze %dma_wait3A_79 : memref<1x128x16xf32, #tpu.memory_space<vmem>> -> memref<128x16xf32, #tpu.memory_space<vmem>>
        %dma_wait3A_81 = arith.constant 0 : i32
        %dma_wait3A_82 = tpu.memref_slice %arg8[%add3A_76, %dma_wait3A_81] : memref<79x128xi32, #tpu.memory_space<vmem>> -> memref<1x128xi32, #tpu.memory_space<vmem>>
        %dma_wait3A_83 = tpu.memref_squeeze %dma_wait3A_82 : memref<1x128xi32, #tpu.memory_space<vmem>> -> memref<128xi32, #tpu.memory_space<vmem>>
        %dma_wait3A_84 = arith.constant 0 : i32
        %dma_wait3A_85 = arith.constant 0 : i32
        %dma_wait3A_86 = tpu.memref_slice %arg12[%dma_wait3A_84, %dma_wait3A_85] : memref<10240x16xf32, #tpu.memory_space<vmem_shared>> -> memref<10240x16xf32, #tpu.memory_space<vmem_shared>>
        %dma_wait3A_87 = tpu.memref_slice %arg11[%rem3A_42] : memref<12x!tpu.dma_semaphore, #tpu.memory_space<semaphore_mem>> -> memref<1x!tpu.dma_semaphore, #tpu.memory_space<semaphore_mem>>
        %dma_wait3A_88 = tpu.memref_squeeze %dma_wait3A_87 : memref<1x!tpu.dma_semaphore, #tpu.memory_space<semaphore_mem>> -> memref<!tpu.dma_semaphore, #tpu.memory_space<semaphore_mem>>
        tpu.wait_indirect_dma semaphore(%dma_wait3A_88 : memref<!tpu.dma_semaphore, #tpu.memory_space<semaphore_mem>>) src(%dma_wait3A_80 : memref<128x16xf32, #tpu.memory_space<vmem>>) dst(%dma_wait3A_86 : memref<10240x16xf32, #tpu.memory_space<vmem_shared>>)
      } else {
      }
      %add3A_45 = arith.constant 6 : i32
      %add3A_46 = arith.addi %while3A_37, %add3A_45 : i32
      %lt3A = arith.cmpi slt, %add3A_46, %min3A_7 : i32
      %convert_element_type3A_47 = arith.extui %lt3A : i1 to i32
      %cond3A_48 = arith.constant 0 : i32
      %cond3A_49 = arith.cmpi ne, %convert_element_type3A_47, %cond3A_48 : i32
      scf.if %cond3A_49 {
        %add3A_74 = arith.constant 6 : i32
        %add3A_75 = arith.addi %while3A_37, %add3A_74 : i32
        %add3A_76 = arith.addi %add3A_75, %sub3A : i32
        %dma_start3A_77 = arith.constant 0 : i32
        %dma_start3A_78 = arith.constant 0 : i32
        %dma_start3A_79 = tpu.memref_slice %arg9[%rem3A_42, %dma_start3A_77, %dma_start3A_78] : memref<12x128x16xf32, #tpu.memory_space<vmem>> -> memref<1x128x16xf32, #tpu.memory_space<vmem>>
        %dma_start3A_80 = tpu.memref_squeeze %dma_start3A_79 : memref<1x128x16xf32, #tpu.memory_space<vmem>> -> memref<128x16xf32, #tpu.memory_space<vmem>>
        %dma_start3A_81 = arith.constant 0 : i32
        %dma_start3A_82 = tpu.memref_slice %arg7[%add3A_76, %dma_start3A_81] : memref<79x128xi32, #tpu.memory_space<vmem>> -> memref<1x128xi32, #tpu.memory_space<vmem>>
        %dma_start3A_83 = tpu.memref_squeeze %dma_start3A_82 : memref<1x128xi32, #tpu.memory_space<vmem>> -> memref<128xi32, #tpu.memory_space<vmem>>
        %dma_start3A_84 = arith.constant 0 : i32
        %dma_start3A_85 = arith.constant 0 : i32
        %dma_start3A_86 = tpu.memref_slice %arg2[%dma_start3A_84, %dma_start3A_85] : memref<10000x16xf32, #tpu.memory_space<hbm>> -> memref<10000x16xf32, #tpu.memory_space<hbm>>
        %dma_start3A_87 = tpu.memref_slice %arg10[%rem3A_42] : memref<12x!tpu.dma_semaphore, #tpu.memory_space<semaphore_mem>> -> memref<1x!tpu.dma_semaphore, #tpu.memory_space<semaphore_mem>>
        %dma_start3A_88 = tpu.memref_squeeze %dma_start3A_87 : memref<1x!tpu.dma_semaphore, #tpu.memory_space<semaphore_mem>> -> memref<!tpu.dma_semaphore, #tpu.memory_space<semaphore_mem>>
        tpu.enqueue_indirect_dma source(%dma_start3A_86 : memref<10000x16xf32, #tpu.memory_space<hbm>>) target(%dma_start3A_80 : memref<128x16xf32, #tpu.memory_space<vmem>>) offsets(%dma_start3A_83 : memref<128xi32, #tpu.memory_space<vmem>>) semaphore(%dma_start3A_88 : memref<!tpu.dma_semaphore, #tpu.memory_space<semaphore_mem>>)
      } else {
      }
      %add3A_50 = arith.addi %while3A_37, %sub3A : i32
      %dma_wait3A = arith.constant 0 : i32
      %dma_wait3A_51 = arith.constant 0 : i32
      %dma_wait3A_52 = tpu.memref_slice %arg9[%rem3A_38, %dma_wait3A, %dma_wait3A_51] : memref<12x128x16xf32, #tpu.memory_space<vmem>> -> memref<1x128x16xf32, #tpu.memory_space<vmem>>
      %dma_wait3A_53 = tpu.memref_squeeze %dma_wait3A_52 : memref<1x128x16xf32, #tpu.memory_space<vmem>> -> memref<128x16xf32, #tpu.memory_space<vmem>>
      %dma_wait3A_54 = arith.constant 0 : i32
      %dma_wait3A_55 = tpu.memref_slice %arg7[%add3A_50, %dma_wait3A_54] : memref<79x128xi32, #tpu.memory_space<vmem>> -> memref<1x128xi32, #tpu.memory_space<vmem>>
      %dma_wait3A_56 = tpu.memref_squeeze %dma_wait3A_55 : memref<1x128xi32, #tpu.memory_space<vmem>> -> memref<128xi32, #tpu.memory_space<vmem>>
      %dma_wait3A_57 = arith.constant 0 : i32
      %dma_wait3A_58 = arith.constant 0 : i32
      %dma_wait3A_59 = tpu.memref_slice %arg2[%dma_wait3A_57, %dma_wait3A_58] : memref<10000x16xf32, #tpu.memory_space<hbm>> -> memref<10000x16xf32, #tpu.memory_space<hbm>>
      %dma_wait3A_60 = tpu.memref_slice %arg10[%rem3A_38] : memref<12x!tpu.dma_semaphore, #tpu.memory_space<semaphore_mem>> -> memref<1x!tpu.dma_semaphore, #tpu.memory_space<semaphore_mem>>
      %dma_wait3A_61 = tpu.memref_squeeze %dma_wait3A_60 : memref<1x!tpu.dma_semaphore, #tpu.memory_space<semaphore_mem>> -> memref<!tpu.dma_semaphore, #tpu.memory_space<semaphore_mem>>
      tpu.wait_indirect_dma semaphore(%dma_wait3A_61 : memref<!tpu.dma_semaphore, #tpu.memory_space<semaphore_mem>>) src(%dma_wait3A_59 : memref<10000x16xf32, #tpu.memory_space<hbm>>) dst(%dma_wait3A_53 : memref<128x16xf32, #tpu.memory_space<vmem>>)
      %add3A_62 = arith.addi %while3A_37, %sub3A : i32
      %dma_start3A = arith.constant 0 : i32
      %dma_start3A_63 = arith.constant 0 : i32
      %dma_start3A_64 = tpu.memref_slice %arg9[%rem3A_38, %dma_start3A, %dma_start3A_63] : memref<12x128x16xf32, #tpu.memory_space<vmem>> -> memref<1x128x16xf32, #tpu.memory_space<vmem>>
      %dma_start3A_65 = tpu.memref_squeeze %dma_start3A_64 : memref<1x128x16xf32, #tpu.memory_space<vmem>> -> memref<128x16xf32, #tpu.memory_space<vmem>>
      %dma_start3A_66 = arith.constant 0 : i32
      %dma_start3A_67 = tpu.memref_slice %arg8[%add3A_62, %dma_start3A_66] : memref<79x128xi32, #tpu.memory_space<vmem>> -> memref<1x128xi32, #tpu.memory_space<vmem>>
      %dma_start3A_68 = tpu.memref_squeeze %dma_start3A_67 : memref<1x128xi32, #tpu.memory_space<vmem>> -> memref<128xi32, #tpu.memory_space<vmem>>
      %dma_start3A_69 = arith.constant 0 : i32
      %dma_start3A_70 = arith.constant 0 : i32
      %dma_start3A_71 = tpu.memref_slice %arg12[%dma_start3A_69, %dma_start3A_70] : memref<10240x16xf32, #tpu.memory_space<vmem_shared>> -> memref<10240x16xf32, #tpu.memory_space<vmem_shared>>
      %dma_start3A_72 = tpu.memref_slice %arg11[%rem3A_38] : memref<12x!tpu.dma_semaphore, #tpu.memory_space<semaphore_mem>> -> memref<1x!tpu.dma_semaphore, #tpu.memory_space<semaphore_mem>>
      %dma_start3A_73 = tpu.memref_squeeze %dma_start3A_72 : memref<1x!tpu.dma_semaphore, #tpu.memory_space<semaphore_mem>> -> memref<!tpu.dma_semaphore, #tpu.memory_space<semaphore_mem>>
      tpu.enqueue_indirect_dma source(%dma_start3A_65 : memref<128x16xf32, #tpu.memory_space<vmem>>) target(%dma_start3A_71 : memref<10240x16xf32, #tpu.memory_space<vmem_shared>>) offsets(%dma_start3A_68 : memref<128xi32, #tpu.memory_space<vmem>>) semaphore(%dma_start3A_73 : memref<!tpu.dma_semaphore, #tpu.memory_space<semaphore_mem>>) {add = true}
    }
    %scan3A_26 = arith.constant 0 : i32
    %scan3A_27 = arith.constant 0 : i32
    %scan3A_28 = arith.constant 6 : i32
    %scan3A_29 = arith.addi %scan3A_27, %scan3A_28 : i32
    %scan3A_30 = arith.constant 1 : i32
    scf.for %scan3A_37 = %scan3A_27 to %scan3A_29 step %scan3A_30  : i32 {
      %sub3A_38 = arith.constant 6 : i32
      %sub3A_39 = arith.subi %min3A_7, %sub3A_38 : i32
      %add3A_40 = arith.addi %sub3A_39, %scan3A_37 : i32
      %ge3A = arith.constant 0 : i32
      %ge3A_41 = arith.cmpi sge, %add3A_40, %ge3A : i32
      %convert_element_type3A = arith.extui %ge3A_41 : i1 to i32
      %cond3A = arith.constant 0 : i32
      %cond3A_42 = arith.cmpi ne, %convert_element_type3A, %cond3A : i32
      scf.if %cond3A_42 {
        %rem3A = arith.constant 12 : i32
        %rem3A_43 = arith.remsi %add3A_40, %rem3A : i32
        %add3A_44 = arith.addi %add3A_40, %sub3A : i32
        %rem3A_45 = arith.constant 12 : i32
        %rem3A_46 = arith.remsi %add3A_40, %rem3A_45 : i32
        %dma_wait3A = arith.constant 0 : i32
        %dma_wait3A_47 = arith.constant 0 : i32
        %dma_wait3A_48 = tpu.memref_slice %arg9[%rem3A_43, %dma_wait3A, %dma_wait3A_47] : memref<12x128x16xf32, #tpu.memory_space<vmem>> -> memref<1x128x16xf32, #tpu.memory_space<vmem>>
        %dma_wait3A_49 = tpu.memref_squeeze %dma_wait3A_48 : memref<1x128x16xf32, #tpu.memory_space<vmem>> -> memref<128x16xf32, #tpu.memory_space<vmem>>
        %dma_wait3A_50 = arith.constant 0 : i32
        %dma_wait3A_51 = tpu.memref_slice %arg8[%add3A_44, %dma_wait3A_50] : memref<79x128xi32, #tpu.memory_space<vmem>> -> memref<1x128xi32, #tpu.memory_space<vmem>>
        %dma_wait3A_52 = tpu.memref_squeeze %dma_wait3A_51 : memref<1x128xi32, #tpu.memory_space<vmem>> -> memref<128xi32, #tpu.memory_space<vmem>>
        %dma_wait3A_53 = arith.constant 0 : i32
        %dma_wait3A_54 = arith.constant 0 : i32
        %dma_wait3A_55 = tpu.memref_slice %arg12[%dma_wait3A_53, %dma_wait3A_54] : memref<10240x16xf32, #tpu.memory_space<vmem_shared>> -> memref<10240x16xf32, #tpu.memory_space<vmem_shared>>
        %dma_wait3A_56 = tpu.memref_slice %arg11[%rem3A_46] : memref<12x!tpu.dma_semaphore, #tpu.memory_space<semaphore_mem>> -> memref<1x!tpu.dma_semaphore, #tpu.memory_space<semaphore_mem>>
        %dma_wait3A_57 = tpu.memref_squeeze %dma_wait3A_56 : memref<1x!tpu.dma_semaphore, #tpu.memory_space<semaphore_mem>> -> memref<!tpu.dma_semaphore, #tpu.memory_space<semaphore_mem>>
        tpu.wait_indirect_dma semaphore(%dma_wait3A_57 : memref<!tpu.dma_semaphore, #tpu.memory_space<semaphore_mem>>) src(%dma_wait3A_49 : memref<128x16xf32, #tpu.memory_space<vmem>>) dst(%dma_wait3A_55 : memref<10240x16xf32, #tpu.memory_space<vmem_shared>>)
      } else {
      }
    }
    %scan3A_31 = arith.constant 6 : i32
    %barrier3A_32 = arith.constant 0 : index
    tpu.barrier barrier_id(%barrier3A_32)
    %mul3A_33 = arith.constant 640 : i32
    %mul3A_34 = arith.muli %arg1, %mul3A_33 : i32
    %mul3A_35 = arith.constant 640 : i32
    %mul3A_36 = arith.muli %arg1, %mul3A_35 : i32
    "tpu.region"() ({
      %run_scoped3A = tpu.sem_alloc : memref<!tpu.dma_semaphore, #tpu.memory_space<semaphore_mem>>
      %dma_start3A = arith.constant 0 : i32
      %dma_start3A_37 = tpu.memref_slice %arg6[%arg0, %mul3A_36, %dma_start3A] : memref<2x10240x16xf32, #tpu.memory_space<hbm>> -> memref<1x640x16xf32, #tpu.memory_space<hbm>>
      %dma_start3A_38 = tpu.memref_squeeze %dma_start3A_37 : memref<1x640x16xf32, #tpu.memory_space<hbm>> -> memref<640x16xf32, #tpu.memory_space<hbm>>
      %dma_start3A_39 = arith.constant 0 : i32
      %dma_start3A_40 = tpu.memref_slice %arg12[%mul3A_34, %dma_start3A_39] : memref<10240x16xf32, #tpu.memory_space<vmem_shared>> -> memref<640x16xf32, #tpu.memory_space<vmem_shared>>
      tpu.enqueue_dma source(%dma_start3A_40 : memref<640x16xf32, #tpu.memory_space<vmem_shared>>) target(%dma_start3A_38 : memref<640x16xf32, #tpu.memory_space<hbm>>) target_semaphore(%run_scoped3A : memref<!tpu.dma_semaphore, #tpu.memory_space<semaphore_mem>>)
      %dma_wait3A = arith.constant 0 : i32
      %dma_wait3A_41 = tpu.memref_slice %arg6[%arg0, %mul3A_36, %dma_wait3A] : memref<2x10240x16xf32, #tpu.memory_space<hbm>> -> memref<1x640x16xf32, #tpu.memory_space<hbm>>
      %dma_wait3A_42 = tpu.memref_squeeze %dma_wait3A_41 : memref<1x640x16xf32, #tpu.memory_space<hbm>> -> memref<640x16xf32, #tpu.memory_space<hbm>>
      %dma_wait3A_43 = arith.constant 0 : i32
      %dma_wait3A_44 = tpu.memref_slice %arg12[%mul3A_34, %dma_wait3A_43] : memref<10240x16xf32, #tpu.memory_space<vmem_shared>> -> memref<640x16xf32, #tpu.memory_space<vmem_shared>>
      tpu.wait_dma2 semaphore(%run_scoped3A : memref<!tpu.dma_semaphore, #tpu.memory_space<semaphore_mem>>) src(%dma_wait3A_44 : memref<640x16xf32, #tpu.memory_space<vmem_shared>>) dst(%dma_wait3A_42 : memref<640x16xf32, #tpu.memory_space<hbm>>)
      tpu.yield
    }) : () -> ()
    return
  }
}

module attributes {stable_mosaic.version = 14 : i64} {
  func.func @_tc_cvt_body(%arg0: memref<2x320000xi32, #tpu.memory_space<vmem>>, %arg1: memref<320000xi32, #tpu.memory_space<vmem>>, %arg2: memref<320000xi32, #tpu.memory_space<vmem>>) attributes {dimension_semantics = [], scalar_prefetch = 0 : i64, scratch_operands = 0 : i64, tpu.core_type = #tpu.core_type<tc>} {
    %get3A = arith.constant 0 : index
    %get3A_0 = arith.constant 0 : index
    %get3A_1 = vector.load %arg0[%get3A, %get3A_0] : memref<2x320000xi32, #tpu.memory_space<vmem>>, vector<1x320000xi32>
    %get3A_2 = vector.shape_cast %get3A_1 : vector<1x320000xi32> to vector<320000xi32>
    %swap3A = arith.constant 0 : index
    %swap3A_3 = vector.load %arg1[%swap3A] : memref<320000xi32, #tpu.memory_space<vmem>>, vector<320000xi32>
    tpu.vector_store %arg1[%swap3A], %get3A_2 {strides = array<i32>} : memref<320000xi32, #tpu.memory_space<vmem>>, vector<320000xi32>,
    %get3A_4 = arith.constant 1 : index
    %get3A_5 = arith.constant 0 : index
    %get3A_6 = vector.load %arg0[%get3A_4, %get3A_5] : memref<2x320000xi32, #tpu.memory_space<vmem>>, vector<1x320000xi32>
    %get3A_7 = vector.shape_cast %get3A_6 : vector<1x320000xi32> to vector<320000xi32>
    %swap3A_8 = arith.constant 0 : index
    %swap3A_9 = vector.load %arg2[%swap3A_8] : memref<320000xi32, #tpu.memory_space<vmem>>, vector<320000xi32>
    tpu.vector_store %arg2[%swap3A_8], %get3A_7 {strides = array<i32>} : memref<320000xi32, #tpu.memory_space<vmem>>, vector<320000xi32>,
    return
  }
}

module attributes {stable_mosaic.version = 14 : i64} {
  func.func @_tc_scale_body(%arg0: memref<1250x128xf32, #tpu.memory_space<vmem>>, %arg1: memref<2x1280x128xf32, #tpu.memory_space<vmem>>, %arg2: memref<1250x128xf32, #tpu.memory_space<vmem>>, %arg3: memref<1250x128xf32, #tpu.memory_space<vmem>>) attributes {dimension_semantics = [], scalar_prefetch = 0 : i64, scratch_operands = 0 : i64, tpu.core_type = #tpu.core_type<tc>} {
    %get3A = arith.constant 0 : index
    %get3A_0 = arith.constant 0 : index
    %get3A_1 = arith.constant 0 : index
    %get3A_2 = vector.load %arg1[%get3A, %get3A_0, %get3A_1] : memref<2x1280x128xf32, #tpu.memory_space<vmem>>, vector<1x1250x128xf32>
    %get3A_3 = vector.shape_cast %get3A_2 : vector<1x1250x128xf32> to vector<1250x128xf32>
    %get3A_4 = arith.constant 1 : index
    %get3A_5 = arith.constant 0 : index
    %get3A_6 = arith.constant 0 : index
    %get3A_7 = vector.load %arg1[%get3A_4, %get3A_5, %get3A_6] : memref<2x1280x128xf32, #tpu.memory_space<vmem>>, vector<1x1250x128xf32>
    %get3A_8 = vector.shape_cast %get3A_7 : vector<1x1250x128xf32> to vector<1250x128xf32>
    %add3A = arith.addf %get3A_3, %get3A_8 : vector<1250x128xf32>
    %max3A = arith.constant 1.000000e+00 : f32
    %max3A_9 = vector.broadcast %max3A : f32 to vector<1250x128xf32>
    %max3A_10 = arith.maximumf %add3A, %max3A_9 : vector<1250x128xf32>
    %rsqrt3A = math.rsqrt %max3A_10 : vector<1250x128xf32>
    %get3A_11 = arith.constant 0 : index
    %get3A_12 = arith.constant 0 : index
    %get3A_13 = vector.load %arg0[%get3A_11, %get3A_12] : memref<1250x128xf32, #tpu.memory_space<vmem>>, vector<1250x128xf32>
    %mul3A = arith.mulf %get3A_13, %rsqrt3A : vector<1250x128xf32>
    %swap3A = arith.constant 0 : index
    %swap3A_14 = arith.constant 0 : index
    %swap3A_15 = vector.load %arg2[%swap3A, %swap3A_14] : memref<1250x128xf32, #tpu.memory_space<vmem>>, vector<1250x128xf32>
    tpu.vector_store %arg2[%swap3A, %swap3A_14], %mul3A {strides = array<i32>} : memref<1250x128xf32, #tpu.memory_space<vmem>>, vector<1250x128xf32>,
    %swap3A_16 = arith.constant 0 : index
    %swap3A_17 = arith.constant 0 : index
    %swap3A_18 = vector.load %arg3[%swap3A_16, %swap3A_17] : memref<1250x128xf32, #tpu.memory_space<vmem>>, vector<1250x128xf32>
    tpu.vector_store %arg3[%swap3A_16, %swap3A_17], %rsqrt3A {strides = array<i32>} : memref<1250x128xf32, #tpu.memory_space<vmem>>, vector<1250x128xf32>,
    return
  }
}

module attributes {stable_mosaic.version = 14 : i64} {
  func.func @_tc_mm_body(%arg0: memref<10000x128xf32, #tpu.memory_space<vmem>>, %arg1: memref<128x16xf32, #tpu.memory_space<vmem>>, %arg2: memref<10000x16xf32, #tpu.memory_space<vmem>>) attributes {dimension_semantics = [], scalar_prefetch = 0 : i64, scratch_operands = 0 : i64, tpu.core_type = #tpu.core_type<tc>} {
    %get3A = arith.constant 0 : index
    %get3A_0 = arith.constant 0 : index
    %get3A_1 = vector.load %arg0[%get3A, %get3A_0] : memref<10000x128xf32, #tpu.memory_space<vmem>>, vector<10000x128xf32>
    %get3A_2 = arith.constant 0 : index
    %get3A_3 = arith.constant 0 : index
    %get3A_4 = vector.load %arg1[%get3A_2, %get3A_3] : memref<128x16xf32, #tpu.memory_space<vmem>>, vector<128x16xf32>
    %dot_general3A = arith.constant dense<0.000000e+00> : vector<10000x16xf32>
    %dot_general3A_5 = tpu.matmul %get3A_1, %get3A_4, %dot_general3A {dimension_numbers = #tpu.dot_dimension_numbers<[1], [0], [0], [1], [0, 0, 1, 1], [], []>, transpose_lhs_hint = false} : vector<10000x128xf32>, vector<128x16xf32>, vector<10000x16xf32> -> vector<10000x16xf32>
    %swap3A = arith.constant 0 : index
    %swap3A_6 = arith.constant 0 : index
    %swap3A_7 = vector.load %arg2[%swap3A, %swap3A_6] : memref<10000x16xf32, #tpu.memory_space<vmem>>, vector<10000x16xf32>
    tpu.vector_store %arg2[%swap3A, %swap3A_6], %dot_general3A_5 {strides = array<i32>} : memref<10000x16xf32, #tpu.memory_space<vmem>>, vector<10000x16xf32>,
    return
  }
}

module attributes {stable_mosaic.version = 14 : i64} {
  func.func @_tc_b_body(%arg0: memref<2x1280x128xf32, #tpu.memory_space<vmem>>, %arg1: memref<1250x128xf32, #tpu.memory_space<vmem>>, %arg2: memref<1250x128xf32, #tpu.memory_space<vmem>>) attributes {dimension_semantics = [], scalar_prefetch = 0 : i64, scratch_operands = 0 : i64, tpu.core_type = #tpu.core_type<tc>} {
    %get3A = arith.constant 0 : index
    %get3A_0 = arith.constant 0 : index
    %get3A_1 = vector.load %arg1[%get3A, %get3A_0] : memref<1250x128xf32, #tpu.memory_space<vmem>>, vector<1250x128xf32>
    %get3A_2 = arith.constant 0 : index
    %get3A_3 = arith.constant 0 : index
    %get3A_4 = arith.constant 0 : index
    %get3A_5 = vector.load %arg0[%get3A_2, %get3A_3, %get3A_4] : memref<2x1280x128xf32, #tpu.memory_space<vmem>>, vector<1x1250x128xf32>
    %get3A_6 = vector.shape_cast %get3A_5 : vector<1x1250x128xf32> to vector<1250x128xf32>
    %get3A_7 = arith.constant 1 : index
    %get3A_8 = arith.constant 0 : index
    %get3A_9 = arith.constant 0 : index
    %get3A_10 = vector.load %arg0[%get3A_7, %get3A_8, %get3A_9] : memref<2x1280x128xf32, #tpu.memory_space<vmem>>, vector<1x1250x128xf32>
    %get3A_11 = vector.shape_cast %get3A_10 : vector<1x1250x128xf32> to vector<1250x128xf32>
    %add3A = arith.addf %get3A_6, %get3A_11 : vector<1250x128xf32>
    %mul3A = arith.mulf %add3A, %get3A_1 : vector<1250x128xf32>
    %max3A = arith.constant 0.000000e+00 : f32
    %max3A_12 = vector.broadcast %max3A : f32 to vector<1250x128xf32>
    %max3A_13 = arith.maximumf %mul3A, %max3A_12 : vector<1250x128xf32>
    %mul3A_14 = arith.mulf %max3A_13, %get3A_1 : vector<1250x128xf32>
    %swap3A = arith.constant 0 : index
    %swap3A_15 = arith.constant 0 : index
    %swap3A_16 = vector.load %arg2[%swap3A, %swap3A_15] : memref<1250x128xf32, #tpu.memory_space<vmem>>, vector<1250x128xf32>
    tpu.vector_store %arg2[%swap3A, %swap3A_15], %mul3A_14 {strides = array<i32>} : memref<1250x128xf32, #tpu.memory_space<vmem>>, vector<1250x128xf32>,
    return
  }
}

module attributes {stable_mosaic.version = 14 : i64} {
  func.func @_tc_c_body(%arg0: memref<2x1280x128xf32, #tpu.memory_space<vmem>>, %arg1: memref<1250x128xf32, #tpu.memory_space<vmem>>, %arg2: memref<128x512xf32, #tpu.memory_space<vmem>>, %arg3: memref<1250x512xf32, #tpu.memory_space<vmem>>) attributes {dimension_semantics = [], scalar_prefetch = 0 : i64, scratch_operands = 0 : i64, tpu.core_type = #tpu.core_type<tc>} {
    %get3A = arith.constant 0 : index
    %get3A_0 = arith.constant 0 : index
    %get3A_1 = arith.constant 0 : index
    %get3A_2 = vector.load %arg0[%get3A, %get3A_0, %get3A_1] : memref<2x1280x128xf32, #tpu.memory_space<vmem>>, vector<1x1250x128xf32>
    %get3A_3 = vector.shape_cast %get3A_2 : vector<1x1250x128xf32> to vector<1250x128xf32>
    %get3A_4 = arith.constant 1 : index
    %get3A_5 = arith.constant 0 : index
    %get3A_6 = arith.constant 0 : index
    %get3A_7 = vector.load %arg0[%get3A_4, %get3A_5, %get3A_6] : memref<2x1280x128xf32, #tpu.memory_space<vmem>>, vector<1x1250x128xf32>
    %get3A_8 = vector.shape_cast %get3A_7 : vector<1x1250x128xf32> to vector<1250x128xf32>
    %add3A = arith.addf %get3A_3, %get3A_8 : vector<1250x128xf32>
    %get3A_9 = arith.constant 0 : index
    %get3A_10 = arith.constant 0 : index
    %get3A_11 = vector.load %arg1[%get3A_9, %get3A_10] : memref<1250x128xf32, #tpu.memory_space<vmem>>, vector<1250x128xf32>
    %mul3A = arith.mulf %add3A, %get3A_11 : vector<1250x128xf32>
    %get3A_12 = arith.constant 0 : index
    %get3A_13 = arith.constant 0 : index
    %get3A_14 = vector.load %arg2[%get3A_12, %get3A_13] : memref<128x512xf32, #tpu.memory_space<vmem>>, vector<128x512xf32>
    %dot_general3A = arith.constant dense<0.000000e+00> : vector<1250x512xf32>
    %dot_general3A_15 = tpu.matmul %mul3A, %get3A_14, %dot_general3A {dimension_numbers = #tpu.dot_dimension_numbers<[1], [0], [0], [1], [0, 0, 1, 1], [], []>, transpose_lhs_hint = false} : vector<1250x128xf32>, vector<128x512xf32>, vector<1250x512xf32> -> vector<1250x512xf32>
    %swap3A = arith.constant 0 : index
    %swap3A_16 = arith.constant 0 : index
    %swap3A_17 = vector.load %arg3[%swap3A, %swap3A_16] : memref<1250x512xf32, #tpu.memory_space<vmem>>, vector<1250x512xf32>
    tpu.vector_store %arg3[%swap3A, %swap3A_16], %dot_general3A_15 {strides = array<i32>} : memref<1250x512xf32, #tpu.memory_space<vmem>>, vector<1250x512xf32>,
    return
  }
}

</mosaic_0001>

<sc_bundles>
// kernel: kernel.10.cloned.1.call-start
scs
__scs_entry_jumppad:
0x0: {  	(pc) =	sbr.rel $0x88, $3  }
0x1: {  	(tag) =	ssettag $0x0;
	lr =	simm.s32 $0x1  }
0x2: {  	[smem:$0x3F9D] =	sst lr;
	_ =	strace $0xD0000000  }
0x3: {  	_ = 	snop  }
0x4: {  	_ = 	snop  }
0x5: {  	_ = 	snop  }
0x6: {  	_ = 	snop  }
0x7: {  	_ = 	snop  }
__scs_overlays_trampoline_lowered:
0x8: {  	[smem:$0x3FAC] =	sst s0  }
0x9: {  	[smem:$0x3FAD] =	sst s1  }
0xa: {  	[smem:$0x3FAE] =	sst s2  }
0xb: {  	[smem:$0x3FAF] =	sst s3  }
0xc: {  	[smem:$0x3FB0] =	sst s4  }
0xd: {  	[smem:$0x3FB1] =	sst s5  }
0xe: {  	[smem:$0x3FB2] =	sst s6  }
0xf: {  	[smem:$0x3FB3] =	sst s7  }
0x10: {  	[smem:$0x3FB4] =	sst s8  }
0x11: {  	[smem:$0x3FB5] =	sst s9;
	s0 =	simm.s32 @!p0 $0x0  }
0x12: {  	s1 =	sld [smem:$0x3F9B];
	s0 =	simm.s32 @p0 $0x1  }
0x13: {  	[smem:$0x3FB6] =	sst s0;
	s0 =	simm.s32 @!p1 $0x0  }
0x14: {  	s2 =	sld [smem:$0x3F9A];
	s0 =	simm.s32 @p1 $0x1  }
0x15: {  	[smem:$0x3FB7] =	sst s0;
	s0 =	simm.s32 @!p2 $0x0  }
0x16: {  	s3 =	sld [smem:$0x3FDB];
	s0 =	simm.s32 @p2 $0x1  }
0x17: {  	s4 =	simm.s32 $0x1BF5;
	[smem:$0x3FB9] =	sst s0  }
0x18: {  	s0 =	sld [smem:$0x3F9C];
	_ =	swait.ge [sflag:s4], $0x0  }
0x19: {  	s7 =	sld [smem:$0x3F9D]  }
0x1a: {  	s8 =	sadd.s32 $0xFFFFE003, lr  }
0x1b: {  	s9 =	sadd.s32 $0xFFFFFEF7, lr;
	s5 =	simm.s32 $0xFFFFFFFF;
	p2 =	slt.u32 s8, $0xFFFFF086  }
0x1c: {  	p1 =	slt.u32 s9, $0xF7A;
	s5 =	simm.s32 @!p2 $0x0  }
0x1d: {  	s5 =	simm.s32 @p1 $0x1;
	p0 =	seq.s32 s7, s2  }
0x1e: {  	s7 =	smul.u32 @!p0 $0xF7A, s2;
	p2 =	seq.s32 @!p0 s5, $0x0  }
0x1f: {  	s9 =	smul.u32 $0xF7A, s1;
	s8 =	simm.s32 @!p0 $0x1BF5;
	p2 =	por !p2, p0  }
0x20: {  	[sflag:s8] =	ssyncset.s32 @!p0 $0xFFFFF086;
	s6 =	sadd.s32 @!p0 s3, s7;
	s7 =	simm.s32 @!p0 $0x108  }
0x21: {  	s3 =	sadd.s32 s3, s9;
	s6 =	sadd.s32 @!p0 $0x88, s6;
	s7 =	simm.s32 @p2 $0x1082  }
0x22: {  	[simem:s7], [sflag:s8] =	dma.local @!p0 [hbm:s6], $0xF7A  }
0x23: {  	s9 =	sor.u32 $0xD0000000, s2;
	s6 =	simm.s32 $0x108;
	_ =	swait.ge @!p0 [sflag:s8], $0x0  }
0x24: {  	s3 =	sadd.s32 $0x88, s3;
	s6 =	simm.s32 @!p1 $0x1082;
	[sflag:s4] =	ssyncset.s32 $0xFFFFF086  }
0x25: {  	[simem:s6], [sflag:s4] =	dma.local [hbm:s3], $0xF7A  }
0x26: {  	[smem:$0x3F9D] =	sst s1;
	(tag) =	ssettag s2;
	_ =	strace s9  }
0x27: {  	s1 =	sld [smem:$0x3FAD]  }
0x28: {  	s2 =	sld [smem:$0x3FAE]  }
0x29: {  	s4 =	sld [smem:$0x3FB0]  }
0x2a: {  	p0 =	seq.s32 s5, $0x0;
	s5 =	sld [smem:$0x3FB1]  }
0x2b: {  	s6 =	sld [smem:$0x3FB2]  }
0x2c: {  	s7 =	sld [smem:$0x3FB3]  }
0x2d: {  	s3 =	simm.s32 $0x108;
	s8 =	sld [smem:$0x3FB4]  }
0x2e: {  	s3 =	simm.s32 @!p0 $0x1082;
	s9 =	sld [smem:$0x3FB5]  }
0x2f: {  	lr =	sadd.s32 s0, s3;
	s0 =	sld [smem:$0x3FAC]  }
0x30: {  	s3 =	sld [smem:$0x3FAF]  }
0x31: {  	[smem:$0x3FB8] =	sst s10  }
0x32: {  	s10 =	sld [smem:$0x3FB6];
	_ =	sdelay $0x3  }
0x33: {  	p0 =	seq.s32 s10, $0x1;
	s10 =	sld [smem:$0x3FB8];
	_ =	sdelay $0x3  }
0x34: {  	[smem:$0x3FB8] =	sst s10  }
0x35: {  	s10 =	sld [smem:$0x3FB7];
	_ =	sdelay $0x3  }
0x36: {  	p1 =	seq.s32 s10, $0x1;
	s10 =	sld [smem:$0x3FB8];
	_ =	sdelay $0x3  }
0x37: {  	[smem:$0x3FB8] =	sst s10  }
0x38: {  	s10 =	sld [smem:$0x3FB9]  }
0x39: {  	_ = 	snop;
	(pc) =	sbr.ind lr, $3  }
0x3a: {  	_ = 	snop  }
0x3b: {  	_ = 	snop  }
0x3c: {  	p2 =	seq.s32 s10, $0x1;
	s10 =	sld [smem:$0x3FB8]  }
0x3d: {  	_ =	shalt  }
0x3e: {  	_ =	shalt  }
0x3f: {  	_ =	shalt  }
0x40: {  	_ =	shalt  }
0x41: {  	_ =	shalt  }
0x42: {  	_ =	shalt  }
0x43: {  	_ =	shalt  }
0x44: {  	_ =	shalt  }
0x45: {  	_ =	shalt  }
0x46: {  	_ =	shalt  }
0x47: {  	_ =	shalt  }
0x48: {  	_ =	shalt  }
0x49: {  	_ =	shalt  }
0x4a: {  	_ =	shalt  }
0x4b: {  	_ =	shalt  }
0x4c: {  	_ =	shalt  }
0x4d: {  	_ =	shalt  }
0x4e: {  	_ =	shalt  }
0x4f: {  	_ =	shalt  }
0x50: {  	_ =	shalt  }
0x51: {  	_ =	shalt  }
0x52: {  	_ =	shalt  }
0x53: {  	_ =	shalt  }
0x54: {  	_ =	shalt  }
0x55: {  	_ =	shalt  }
0x56: {  	_ =	shalt  }
0x57: {  	_ =	shalt  }
0x58: {  	_ =	shalt  }
0x59: {  	_ =	shalt  }
0x5a: {  	_ =	shalt  }
0x5b: {  	_ =	shalt  }
0x5c: {  	_ =	shalt  }
0x5d: {  	_ =	shalt  }
0x5e: {  	_ =	shalt  }
0x5f: {  	_ =	shalt  }
0x60: {  	_ =	shalt  }
0x61: {  	_ =	shalt  }
0x62: {  	_ =	shalt  }
0x63: {  	_ =	shalt  }
0x64: {  	_ =	shalt  }
0x65: {  	_ =	shalt  }
0x66: {  	_ =	shalt  }
0x67: {  	_ =	shalt  }
0x68: {  	_ =	shalt  }
0x69: {  	_ =	shalt  }
0x6a: {  	_ =	shalt  }
0x6b: {  	_ =	shalt  }
0x6c: {  	_ =	shalt  }
0x6d: {  	_ =	shalt  }
0x6e: {  	_ =	shalt  }
0x6f: {  	_ =	shalt  }
0x70: {  	_ =	shalt  }
0x71: {  	_ =	shalt  }
0x72: {  	_ =	shalt  }
0x73: {  	_ =	shalt  }
0x74: {  	_ =	shalt  }
0x75: {  	_ =	shalt  }
0x76: {  	_ =	shalt  }
0x77: {  	_ =	shalt  }
0x78: {  	_ =	shalt  }
0x79: {  	_ =	shalt  }
0x7a: {  	_ =	shalt  }
0x7b: {  	_ =	shalt  }
0x7c: {  	_ =	shalt  }
0x7d: {  	_ =	shalt  }
0x7e: {  	_ =	shalt  }
0x7f: {  	_ =	shalt  }
0x80: {  	_ =	shalt  }
0x81: {  	_ =	shalt  }
0x82: {  	_ =	shalt  }
0x83: {  	_ =	shalt  }
0x84: {  	_ =	shalt  }
0x85: {  	_ =	shalt  }
0x86: {  	_ =	shalt  }
0x87: {  	_ =	shalt  }
.Lfunc_end0:
.L_simem_size_0:
called_computation_lowered:
.L_overlay_start_0:
0x88: {  	s2 =	sld [smem:$0x3FD9]  }
0x89: {  	s3 =	sld [smem:$0x3FFE];
	_ =	sdelay $0x1  }
0x8a: {  	s1 =	srdreg.scid  }
0x8b: {  	s0 =	sand.u32 $0x1, s1  }
0x8c: {  	s17 =	sshll.u32 s0, $0xA;
	s2 =	sadd.s32 s3, s2  }
0x8d: {  	s2 =	sadd.s32 s2, s17  }
0x8e: {  	[smem:$0x3FC4] =	sst s2  }
0x8f: {  	_ = 	snop  }
0x90: {  	s2 =	sld [smem:$0x3FD0];
	(tm) =	ssettm $0x1  }
0x91: {  	s18 =	sld [smem:$0x3FFB];
	_ =	sdelay $0x3  }
0x92: {  	_ =	strace s18  }
0x93: {  	s3 =	sld [smem:$0x3FFC];
	_ =	sdelay $0x3  }
0x94: {  	_ =	strace s3  }
0x95: {  	s3 =	sld [smem:$0x3FFD];
	_ =	sdelay $0x3  }
0x96: {  	_ =	strace s3  }
0x97: {  	_ =	strace $0x8FFFFFFF  }
0x98: {  	s19 =	sld [smem:$0x3FDB];
	_ =	sdelay $0x1  }
0x99: {  	s4 =	simm.s32 $_scs_section_size  }
0x9a: {  	s5 =	simm.s32 $_size__tile_overlayer_lowered;
	s6 =	simm.s32 $_tile_overlayer_lowered  }
0x9b: {  	s22 =	simm.s32 $0x1BFF;
	s21 =	sshll.u32 s6, $0x1;
	s3 =	sadd.s32 s4, s19  }
0x9c: {  	s7 =	simm.s32 $0x0;
	s20 =	sshll.u32 s5, $0x1;
	s5 =	sadd.s32 s21, s3  }
0x9d: {  	[timem:s7], [sflag:s22] =	dma.local [hbm:s5], s20  }
0x9e: {  	_ =	swait.ge [sflag:s22], s20  }
0x9f: {  	s4 =	ssub.s32 $0x0, s20;
	[sflag:s22] =	ssyncset.done $0x0  }
0xa0: {  	[sflag:s22] =	ssyncadd.s32 s4;
	_ =	sdelay $0x1  }
0xa1: {  	s23 =	simm.s32 $0x1B8B  }
0xa2: {  	_ =	swait.ge [sflag:s23], $0x1  }
0xa3: {  	[sflag:s23] =	ssyncset.done $0x0  }
0xa4: {  	s25 =	simm.s32 $0x1B8E;
	s24 =	sld [smem:$0x3FFE];
	[sflag:s23] =	ssyncadd.s32 $0xFFFFFFFF  }
0xa5: {  	s26 =	simm.s32 $execute0_lowered;
	[smem:$0x3FD2] =	sst s25  }
0xa6: {  	s5 =	sshll.u32 s26, $0x1;
	_ =	strace $0x80000046;
	[dreg:$0x1] =	wrdreg $0xFFFFFFFF  }
0xa7: {  	s28 =	simm.s32 $_size_execute0_lowered;
	s3 =	sadd.s32 s3, s5;
	[dreg:$0x0] =	wrdreg $0x0  }
0xa8: {  	s5 =	sshll.u32 s28, $0x1;
	[dreg:$0x2] =	wrdreg s3  }
0xa9: {  	[dreg:$0x3] =	wrdreg s5  }
0xaa: {  	[dreg:$0x4] =	wrdreg $0xC0  }
0xab: {  	_ =	task [dreg:s7], $0x5FFFF  }
0xac: {  	[dreg:$0x1] =	wrdreg $0xFFFFFFFF  }
0xad: {  	[dreg:$0x0] =	wrdreg $0x60  }
0xae: {  	[dreg:$0x2] =	wrdreg s24  }
0xaf: {  	[dreg:$0x3] =	wrdreg s2  }
0xb0: {  	[dreg:$0x4] =	wrdreg $0x2F800  }
0xb1: {  	[dreg:$0x5] =	wrdreg $0x9  }
0xb2: {  	_ =	task.clear_ibuf [dreg:s7], $0x6FFFF;
	_ =	strace $0x90000046  }
0xb3: {  	s29 =	simm.s32 $0x9;
	_ =	strace $0x80000048  }
0xb4: {  	_ =	swait.ge [sflag:s29], $0x1  }
0xb5: {  	[sflag:s29] =	ssyncadd.s32 $0xFFFFFFFF  }
0xb6: {  	_ =	strace $0x90000048  }
0xb7: {  	_ =	sfence  }
0xb8: {  	s30 =	sld [smem:$0x0];
	_ =	sdelay $0x2  }
0xb9: {  	s31 =	sshll.u32 s1, $0xD;
	s1 =	sshrl.u32 s1, $0x2  }
0xba: {  	s3 =	sand.u32 $0x4000, s31;
	s1 =	sadd.s32 s1, s30  }
0xbb: {  	s0 =	sor.u32 s3, s0;
	s1 =	sshll.u32 s1, $0x11  }
0xbc: {  	s0 =	sor.u32 s1, s0  }
0xbd: {  	s0 =	sadd.s32 $0x8F2B, s0  }
0xbe: {  	[sflag:s0] =	ssyncadd.remote.s32 $0x1  }
0xbf: {  	_ =	sfence.sel $0xFFFF  }
0xc0: {  	[dreg:$0x0] =	wrdreg $0xFFFFFFFF;
	(pc) =	sbr.abs _section_cstart, $3  }
0xc1: {  	[dreg:$0x1] =	wrdreg $0xFFFFFFFF  }
0xc2: {  	_ =	task.clear_ibuf [dreg:s7], $0x2FFFF;
	_ =	strace $0x9FFFFFFF  }
0xc3: {  	(tm) =	ssettm $0x7FFFFFFF  }
tec
execute0_lowered:
.L_overlay_start_1:
0x0: {  	(tag) =	ssettag $0x1  }
0x1: {  	s0 =	stileid.u32  }
0x2: {  	s1 =	srdreg.scid;
	s9 =	smul.u32 $0x2800, s0  }
0x3: {  	s4 =	rddreg [dreg:$0x0];
	s26 =	smul.u32 $0x9E, s0  }
0x4: {  	s8 =	rddreg [dreg:$0x1];
	s5 =	sand.u32 $0x1, s1;
	s28 =	smul.u32 $0xFFFFFF62, s0  }
0x5: {  	s2 =	rddreg [dreg:$0x2];
	s3 =	simm.s32 $0x0;
	s11 =	smul.u32 $0x28000, s5  }
0x6: {  	s17 =	simm.s32 $0x0;
	s24 =	sshll.u32 s0, $0x1;
	s13 =	smul.u32 $0xFFFFFFB1, s5  }
0x7: {  	[smem:$0x7FF] =	sst s3;
	s1 =	sor.u32 s5, s24;
	s16 =	smul.u32 $0x4F, s5  }
0x8: {  	s15 =	sshll.u32 s0, $0x6;
	s10 =	ssub.s32 $0x2, s5;
	s6 =	smul.u32 $0x4F, s1  }
0x9: {  	s1 =	rddreg [dreg:$0x3];
	_ =	strace $0x80000047;
	s12 =	sshrl.u32 s10, $0x1  }
0xa: {  	s25 =	sshrl.u32 s9, $0x3;
	s14 =	sadd.s32 s9, s2;
	s10 =	ssub.s32 s10, s12  }
0xb: {  	s9 =	sadd.s32 s9, s11;
	s29 =	sadd.s32 s16, s26;
	s30 =	sadd.s32 s28, s13  }
0xc: {  	s12 =	sshrl.u32 s14, $0x3;
	s13 =	simm.s32 $0x2;
	s14 =	simm.s32 $0x800  }
0xd: {  	s16 =	simm.s32 $0x1;
	s6 =	smin.u32 s6, $0x975;
	s9 =	sshrl.u32 s9, $0x3  }
0xe: {  	s11 =	smax.u32 s29, $0x975;
	s31 =	sadd.s32 $0x9C4, s30;
	s10 =	smax.u32 s10, $0x1  }
0xf: {  	s6 =	sshll.u32 s6, $0x4;
	s8 =	sadd.s32 s8, s9;
	s11 =	sshll.u32 s11, $0x7  }
0x10: {  	s9 =	smin.u32 s31, $0x4F;
	s7 =	sadd.s32 s6, s4;
	s6 =	sadd.s32 s25, s4  }
0x11: {  	s4 =	sadd.s32 $0x1B800, s4;
	s11 =	sadd.s32 $0xFFFB4D80, s11;
	s5 =	sadd.s32 $0x16800, s6  }
0x12: {  	s6 =	sor.u32 $0x1C02, s15;
	s7 =	sadd.s32 $0x2C00, s7;
	s15 =	simm.s32 $0x80  }
.LBB2_1:
0x13: {  	[spmem:s12], [sflag:s6] =	dma.local [hbm:s5], $0x500  }
0x14: {  	_ =	swait.ge [sflag:s13], $0x500  }
0x15: {  	[sflag:s13] =	ssyncset.done $0x0  }
0x16: {  	[sflag:s13] =	ssyncadd.s32 $0xFFFFFB00  }
0x17: {  	[tilespmem:s3], [sflag:$0x2] =	stream.linear.gather [hbm4b:s4+s3], $0x800, $0x38;
	[tilespmem:$0x5780] =	vst v63  }
0x18: {  	_ =	swait.ge [sflag:s13], $0x800  }
0x19: {  	[sflag:s13] =	ssyncset.done $0x0  }
0x1a: {  	p0 =	sne.s32 s9, $0x1;
	[sflag:s13] =	ssyncadd.s32 $0xFFFFF800  }
0x1b: {  	[tilespmem:s14], [sflag:$0x2] =	stream.linear.gather [hbm4b:s7+s3], $0x2780, $0x38;
	[tilespmem:$0x5780] =	vst v63  }
.Ltmp0:
0x1c: {  	_ =	swait.ge [sflag:s13], $0x2780;
	(pc) =	sbr.rel @!p0 .LBB2_3-.Ltmp0, $4  }
0x1d: {  	[sflag:s13] =	ssyncset.done $0x0  }
0x1e: {  	[sflag:s13] =	ssyncadd.s32 $0xFFFFD880  }
0x1f: {  	s18 =	sadd.s32 $0xFFFFFFFF, s9;
	s19 =	smov.u32 s11;
	[bflag:$0x0] =	sbarrier.arrive $0xFFFF  }
0x20: {  	[spmem:s2] =	stream.indirect.scatter.add.f32 [tilespmem:s3], [sflag:$0x1], $0x10, s11, s15, $0xb8;
	[tilespmem:$0x5780] =	vst v63  }
.LBB2_2:
0x21: {  	p1 =	sne.s32 s18, $0x1  }
.Ltmp1:
0x22: {  	_ = 	snop;
	(pc) =	sbr.rel @p1 .LBB2_2-.Ltmp1, $3  }
0x23: {  	_ = 	snop  }
0x24: {  	s18 =	sadd.s32 $0xFFFFFFFF, s18;
	s19 =	sadd.s32 $0x80, s19;
	_ =	sdelay $0x1  }
0x25: {  	[spmem:s2] =	stream.indirect.scatter.add.f32 [tilespmem:s3], [sflag:$0x1], $0x10, s19, s15, $0xb8;
	[tilespmem:$0x5780] =	vst v63  }
.LBB2_3:
.Ltmp2:
0x26: {  	(pc) =	sbr.rel @!p0 .LBB2_5-.Ltmp2, $3  }
0x27: {  	_ =	sdelay $0x1  }
0x28: {  	_ =	swait.ge [sflag:s16], $0x800  }
0x29: {  	s18 =	sadd.s32 $0xFFFFFFFF, s9;
	[sflag:s16] =	ssyncset.done $0x0  }
.LBB2_4:
0x2a: {  	p0 =	sne.s32 s18, $0x1;
	s18 =	sadd.s32 $0xFFFFFFFF, s18;
	[sflag:s16] =	ssyncadd.s32 $0xFFFFF800  }
.Ltmp3:
0x2b: {  	(pc) =	sbr.rel @p0 .LBB2_4-.Ltmp3, $3  }
0x2c: {  	_ =	sdelay $0x1  }
0x2d: {  	_ =	swait.ge [sflag:s16], $0x800  }
0x2e: {  	[sflag:s16] =	ssyncset.done $0x0  }
.LBB2_5:
0x2f: {  	s17 =	sadd.s32 $0x1, s17  }
0x30: {  	[sflag:s16] =	ssyncadd.s32 $0xFFFFF800;
	p0 =	sne.s32 s17, s10  }
.Ltmp4:
0x31: {  	[bflag:$0x0] =	sbarrier.arrive $0xFFFF;
	(pc) =	sbr.rel @p0 .LBB2_1-.Ltmp4, $4  }
0x32: {  	[hbm:s8], [sflag:s6] =	dma.local [spmem:s12], $0x500  }
0x33: {  	_ =	swait.ge [sflag:s13], $0x500  }
0x34: {  	[sflag:s13] =	ssyncset.done $0x0  }
0x35: {  	[sflag:s13] =	ssyncadd.s32 $0xFFFFFB00  }
0x36: {  	_ =	sfence.sel $0x180000  }
0x37: {  	[bflag:$0x0] =	sbarrier.arrive $0xFFFF  }
0x38: {  	p0 =	sne.s32 s0, $0x0;
	_ =	strace $0x90000047  }
0x39: {  	s0 =	sadd.s32 @!p0 $0x100000, s1;
	[bflag:$0x2] =	sbarrier.arrive $0xFFFF  }
0x3a: {  	[sflag:s0] =	ssyncadd.tile.s32 @!p0 $0x1;
	_ =	shalt  }
.Lfunc_end2:
_tile_overlayer_lowered:
.L_overlay_start_2:
0x3b: {  	(tag) =	ssettag $0x2  }
0x3c: {  	s0 =	rddreg [dreg:$0x0];
	s2 =	stileid.u32  }
0x3d: {  	s1 =	rddreg [dreg:$0x1];
	p0 =	sne.s32 s2, $0x0  }
0x3e: {  	s3 =	rddreg [dreg:$0x2];
	[bflag:$0x3] =	sbarrier.arrive $0xFFFF;
	s2 =	simm.s32 @!p0 $0x1C02  }
0x3f: {  	[timem:s3], [sflag:s2] =	dma.local @!p0 [hbm:s0], s1  }
0x40: {  	s0 =	simm.s32 @!p0 $0x2  }
0x41: {  	_ =	swait.ge @!p0 [sflag:s0], s1  }
0x42: {  	s1 =	ssub.s32 @!p0 $0x0, s1;
	[sflag:s0] =	ssyncset.done @!p0 $0x0  }
0x43: {  	[sflag:s0] =	ssyncadd.s32 @!p0 s1  }
0x44: {  	[bflag:$0x3] =	sbarrier.arrive $0xFFFF  }
0x45: {  	_ =	shalt  }

// kernel: kernel.13.cloned.1.call-start
scs
__scs_entry_jumppad:
0x0: {  	(pc) =	sbr.rel $0x88, $3  }
0x1: {  	(tag) =	ssettag $0x0;
	lr =	simm.s32 $0x1  }
0x2: {  	[smem:$0x3F9D] =	sst lr;
	_ =	strace $0xD0000000  }
0x3: {  	_ = 	snop  }
0x4: {  	_ = 	snop  }
0x5: {  	_ = 	snop  }
0x6: {  	_ = 	snop  }
0x7: {  	_ = 	snop  }
__scs_overlays_trampoline_lowered:
0x8: {  	[smem:$0x3FAC] =	sst s0  }
0x9: {  	[smem:$0x3FAD] =	sst s1  }
0xa: {  	[smem:$0x3FAE] =	sst s2  }
0xb: {  	[smem:$0x3FAF] =	sst s3  }
0xc: {  	[smem:$0x3FB0] =	sst s4  }
0xd: {  	[smem:$0x3FB1] =	sst s5  }
0xe: {  	[smem:$0x3FB2] =	sst s6  }
0xf: {  	[smem:$0x3FB3] =	sst s7  }
0x10: {  	[smem:$0x3FB4] =	sst s8  }
0x11: {  	[smem:$0x3FB5] =	sst s9;
	s0 =	simm.s32 @!p0 $0x0  }
0x12: {  	s1 =	sld [smem:$0x3F9B];
	s0 =	simm.s32 @p0 $0x1  }
0x13: {  	[smem:$0x3FB6] =	sst s0;
	s0 =	simm.s32 @!p1 $0x0  }
0x14: {  	s2 =	sld [smem:$0x3F9A];
	s0 =	simm.s32 @p1 $0x1  }
0x15: {  	[smem:$0x3FB7] =	sst s0;
	s0 =	simm.s32 @!p2 $0x0  }
0x16: {  	s3 =	sld [smem:$0x3FDB];
	s0 =	simm.s32 @p2 $0x1  }
0x17: {  	s4 =	simm.s32 $0x1BF5;
	[smem:$0x3FB9] =	sst s0  }
0x18: {  	s0 =	sld [smem:$0x3F9C];
	_ =	swait.ge [sflag:s4], $0x0  }
0x19: {  	s7 =	sld [smem:$0x3F9D]  }
0x1a: {  	s8 =	sadd.s32 $0xFFFFE003, lr  }
0x1b: {  	s9 =	sadd.s32 $0xFFFFFEF7, lr;
	s5 =	simm.s32 $0xFFFFFFFF;
	p2 =	slt.u32 s8, $0xFFFFF086  }
0x1c: {  	p1 =	slt.u32 s9, $0xF7A;
	s5 =	simm.s32 @!p2 $0x0  }
0x1d: {  	s5 =	simm.s32 @p1 $0x1;
	p0 =	seq.s32 s7, s2  }
0x1e: {  	s7 =	smul.u32 @!p0 $0xF7A, s2;
	p2 =	seq.s32 @!p0 s5, $0x0  }
0x1f: {  	s9 =	smul.u32 $0xF7A, s1;
	s8 =	simm.s32 @!p0 $0x1BF5;
	p2 =	por !p2, p0  }
0x20: {  	[sflag:s8] =	ssyncset.s32 @!p0 $0xFFFFF086;
	s6 =	sadd.s32 @!p0 s3, s7;
	s7 =	simm.s32 @!p0 $0x108  }
0x21: {  	s3 =	sadd.s32 s3, s9;
	s6 =	sadd.s32 @!p0 $0x88, s6;
	s7 =	simm.s32 @p2 $0x1082  }
0x22: {  	[simem:s7], [sflag:s8] =	dma.local @!p0 [hbm:s6], $0xF7A  }
0x23: {  	s9 =	sor.u32 $0xD0000000, s2;
	s6 =	simm.s32 $0x108;
	_ =	swait.ge @!p0 [sflag:s8], $0x0  }
0x24: {  	s3 =	sadd.s32 $0x88, s3;
	s6 =	simm.s32 @!p1 $0x1082;
	[sflag:s4] =	ssyncset.s32 $0xFFFFF086  }
0x25: {  	[simem:s6], [sflag:s4] =	dma.local [hbm:s3], $0xF7A  }
0x26: {  	[smem:$0x3F9D] =	sst s1;
	(tag) =	ssettag s2;
	_ =	strace s9  }
0x27: {  	s1 =	sld [smem:$0x3FAD]  }
0x28: {  	s2 =	sld [smem:$0x3FAE]  }
0x29: {  	s4 =	sld [smem:$0x3FB0]  }
0x2a: {  	p0 =	seq.s32 s5, $0x0;
	s5 =	sld [smem:$0x3FB1]  }
0x2b: {  	s6 =	sld [smem:$0x3FB2]  }
0x2c: {  	s7 =	sld [smem:$0x3FB3]  }
0x2d: {  	s3 =	simm.s32 $0x108;
	s8 =	sld [smem:$0x3FB4]  }
0x2e: {  	s3 =	simm.s32 @!p0 $0x1082;
	s9 =	sld [smem:$0x3FB5]  }
0x2f: {  	lr =	sadd.s32 s0, s3;
	s0 =	sld [smem:$0x3FAC]  }
0x30: {  	s3 =	sld [smem:$0x3FAF]  }
0x31: {  	[smem:$0x3FB8] =	sst s10  }
0x32: {  	s10 =	sld [smem:$0x3FB6];
	_ =	sdelay $0x3  }
0x33: {  	p0 =	seq.s32 s10, $0x1;
	s10 =	sld [smem:$0x3FB8];
	_ =	sdelay $0x3  }
0x34: {  	[smem:$0x3FB8] =	sst s10  }
0x35: {  	s10 =	sld [smem:$0x3FB7];
	_ =	sdelay $0x3  }
0x36: {  	p1 =	seq.s32 s10, $0x1;
	s10 =	sld [smem:$0x3FB8];
	_ =	sdelay $0x3  }
0x37: {  	[smem:$0x3FB8] =	sst s10  }
0x38: {  	s10 =	sld [smem:$0x3FB9]  }
0x39: {  	_ = 	snop;
	(pc) =	sbr.ind lr, $3  }
0x3a: {  	_ = 	snop  }
0x3b: {  	_ = 	snop  }
0x3c: {  	p2 =	seq.s32 s10, $0x1;
	s10 =	sld [smem:$0x3FB8]  }
0x3d: {  	_ =	shalt  }
0x3e: {  	_ =	shalt  }
0x3f: {  	_ =	shalt  }
0x40: {  	_ =	shalt  }
0x41: {  	_ =	shalt  }
0x42: {  	_ =	shalt  }
0x43: {  	_ =	shalt  }
0x44: {  	_ =	shalt  }
0x45: {  	_ =	shalt  }
0x46: {  	_ =	shalt  }
0x47: {  	_ =	shalt  }
0x48: {  	_ =	shalt  }
0x49: {  	_ =	shalt  }
0x4a: {  	_ =	shalt  }
0x4b: {  	_ =	shalt  }
0x4c: {  	_ =	shalt  }
0x4d: {  	_ =	shalt  }
0x4e: {  	_ =	shalt  }
0x4f: {  	_ =	shalt  }
0x50: {  	_ =	shalt  }
0x51: {  	_ =	shalt  }
0x52: {  	_ =	shalt  }
0x53: {  	_ =	shalt  }
0x54: {  	_ =	shalt  }
0x55: {  	_ =	shalt  }
0x56: {  	_ =	shalt  }
0x57: {  	_ =	shalt  }
0x58: {  	_ =	shalt  }
0x59: {  	_ =	shalt  }
0x5a: {  	_ =	shalt  }
0x5b: {  	_ =	shalt  }
0x5c: {  	_ =	shalt  }
0x5d: {  	_ =	shalt  }
0x5e: {  	_ =	shalt  }
0x5f: {  	_ =	shalt  }
0x60: {  	_ =	shalt  }
0x61: {  	_ =	shalt  }
0x62: {  	_ =	shalt  }
0x63: {  	_ =	shalt  }
0x64: {  	_ =	shalt  }
0x65: {  	_ =	shalt  }
0x66: {  	_ =	shalt  }
0x67: {  	_ =	shalt  }
0x68: {  	_ =	shalt  }
0x69: {  	_ =	shalt  }
0x6a: {  	_ =	shalt  }
0x6b: {  	_ =	shalt  }
0x6c: {  	_ =	shalt  }
0x6d: {  	_ =	shalt  }
0x6e: {  	_ =	shalt  }
0x6f: {  	_ =	shalt  }
0x70: {  	_ =	shalt  }
0x71: {  	_ =	shalt  }
0x72: {  	_ =	shalt  }
0x73: {  	_ =	shalt  }
0x74: {  	_ =	shalt  }
0x75: {  	_ =	shalt  }
0x76: {  	_ =	shalt  }
0x77: {  	_ =	shalt  }
0x78: {  	_ =	shalt  }
0x79: {  	_ =	shalt  }
0x7a: {  	_ =	shalt  }
0x7b: {  	_ =	shalt  }
0x7c: {  	_ =	shalt  }
0x7d: {  	_ =	shalt  }
0x7e: {  	_ =	shalt  }
0x7f: {  	_ =	shalt  }
0x80: {  	_ =	shalt  }
0x81: {  	_ =	shalt  }
0x82: {  	_ =	shalt  }
0x83: {  	_ =	shalt  }
0x84: {  	_ =	shalt  }
0x85: {  	_ =	shalt  }
0x86: {  	_ =	shalt  }
0x87: {  	_ =	shalt  }
.Lfunc_end0:
.L_simem_size_0:
called_computation.1_lowered:
.L_overlay_start_0:
0x88: {  	s2 =	sld [smem:$0x3FD9]  }
0x89: {  	s3 =	sld [smem:$0x3FFE];
	_ =	sdelay $0x1  }
0x8a: {  	s1 =	srdreg.scid  }
0x8b: {  	s0 =	sand.u32 $0x1, s1  }
0x8c: {  	s17 =	sshll.u32 s0, $0xA;
	s2 =	sadd.s32 s3, s2  }
0x8d: {  	s2 =	sadd.s32 s2, s17  }
0x8e: {  	[smem:$0x3FC4] =	sst s2  }
0x8f: {  	_ = 	snop  }
0x90: {  	s2 =	sld [smem:$0x3FD0];
	(tm) =	ssettm $0x1  }
0x91: {  	s18 =	sld [smem:$0x3FFB];
	_ =	sdelay $0x3  }
0x92: {  	_ =	strace s18  }
0x93: {  	s3 =	sld [smem:$0x3FFC];
	_ =	sdelay $0x3  }
0x94: {  	_ =	strace s3  }
0x95: {  	s3 =	sld [smem:$0x3FFD];
	_ =	sdelay $0x3  }
0x96: {  	_ =	strace s3  }
0x97: {  	_ =	strace $0x8FFFFFFF  }
0x98: {  	s19 =	sld [smem:$0x3FDB];
	_ =	sdelay $0x1  }
0x99: {  	s4 =	simm.s32 $_scs_section_size  }
0x9a: {  	s5 =	simm.s32 $_size__tile_overlayer_lowered;
	s6 =	simm.s32 $_tile_overlayer_lowered  }
0x9b: {  	s22 =	simm.s32 $0x1BFF;
	s21 =	sshll.u32 s6, $0x1;
	s3 =	sadd.s32 s4, s19  }
0x9c: {  	s7 =	simm.s32 $0x0;
	s20 =	sshll.u32 s5, $0x1;
	s5 =	sadd.s32 s21, s3  }
0x9d: {  	[timem:s7], [sflag:s22] =	dma.local [hbm:s5], s20  }
0x9e: {  	_ =	swait.ge [sflag:s22], s20  }
0x9f: {  	s4 =	ssub.s32 $0x0, s20;
	[sflag:s22] =	ssyncset.done $0x0  }
0xa0: {  	[sflag:s22] =	ssyncadd.s32 s4;
	_ =	sdelay $0x1  }
0xa1: {  	s23 =	simm.s32 $0x1B8B  }
0xa2: {  	_ =	swait.ge [sflag:s23], $0x1  }
0xa3: {  	[sflag:s23] =	ssyncset.done $0x0  }
0xa4: {  	s25 =	simm.s32 $0x1B8E;
	s24 =	sld [smem:$0x3FFE];
	[sflag:s23] =	ssyncadd.s32 $0xFFFFFFFF  }
0xa5: {  	s26 =	simm.s32 $execute0_lowered;
	[smem:$0x3FD2] =	sst s25  }
0xa6: {  	s5 =	sshll.u32 s26, $0x1;
	_ =	strace $0x80000049;
	[dreg:$0x1] =	wrdreg $0xFFFFFFFF  }
0xa7: {  	s28 =	simm.s32 $_size_execute0_lowered;
	s3 =	sadd.s32 s3, s5;
	[dreg:$0x0] =	wrdreg $0x0  }
0xa8: {  	s5 =	sshll.u32 s28, $0x1;
	[dreg:$0x2] =	wrdreg s3  }
0xa9: {  	[dreg:$0x3] =	wrdreg s5  }
0xaa: {  	[dreg:$0x4] =	wrdreg $0xC0  }
0xab: {  	_ =	task [dreg:s7], $0x5FFFF  }
0xac: {  	[dreg:$0x1] =	wrdreg $0xFFFFFFFF  }
0xad: {  	[dreg:$0x0] =	wrdreg $0x60  }
0xae: {  	[dreg:$0x2] =	wrdreg s24  }
0xaf: {  	[dreg:$0x3] =	wrdreg s2  }
0xb0: {  	[dreg:$0x4] =	wrdreg $0xAF000  }
0xb1: {  	[dreg:$0x5] =	wrdreg $0x9  }
0xb2: {  	_ =	task.clear_ibuf [dreg:s7], $0x6FFFF;
	_ =	strace $0x90000049  }
0xb3: {  	s29 =	simm.s32 $0x9;
	_ =	strace $0x8000004B  }
0xb4: {  	_ =	swait.ge [sflag:s29], $0x1  }
0xb5: {  	[sflag:s29] =	ssyncadd.s32 $0xFFFFFFFF  }
0xb6: {  	_ =	strace $0x9000004B  }
0xb7: {  	_ =	sfence  }
0xb8: {  	s30 =	sld [smem:$0x0];
	_ =	sdelay $0x2  }
0xb9: {  	s31 =	sshll.u32 s1, $0xD;
	s1 =	sshrl.u32 s1, $0x2  }
0xba: {  	s3 =	sand.u32 $0x4000, s31;
	s1 =	sadd.s32 s1, s30  }
0xbb: {  	s0 =	sor.u32 s3, s0;
	s1 =	sshll.u32 s1, $0x11  }
0xbc: {  	s0 =	sor.u32 s1, s0  }
0xbd: {  	s0 =	sadd.s32 $0x8F2B, s0  }
0xbe: {  	[sflag:s0] =	ssyncadd.remote.s32 $0x1  }
0xbf: {  	_ =	sfence.sel $0xFFFF  }
0xc0: {  	[dreg:$0x0] =	wrdreg $0xFFFFFFFF;
	(pc) =	sbr.abs _section_cstart, $3  }
0xc1: {  	[dreg:$0x1] =	wrdreg $0xFFFFFFFF  }
0xc2: {  	_ =	task.clear_ibuf [dreg:s7], $0x2FFFF;
	_ =	strace $0x9FFFFFFF  }
0xc3: {  	(tm) =	ssettm $0x7FFFFFFF  }
tec
execute0_lowered:
.L_overlay_start_1:
0x0: {  	(tag) =	ssettag $0x1  }
0x1: {  	s14 =	stileid.u32  }
0x2: {  	s9 =	smul.u32 $0x2800, s14  }
0x3: {  	s31 =	smul.u32 $0xFFFFFF62, s14  }
0x4: {  	s0 =	srdreg.scid;
	s17 =	smul.u32 $0x9E, s14  }
0x5: {  	s0 =	sand.u32 $0x1, s0;
	s22 =	smul.u32 $0x13C00, s14  }
0x6: {  	s1 =	rddreg [dreg:$0x0];
	s26 =	smul.u32 $0x28000, s0  }
0x7: {  	s5 =	rddreg [dreg:$0x1];
	s2 =	sshll.u32 s14, $0x1;
	s30 =	smul.u32 $0xFFFFFFB1, s0  }
0x8: {  	s4 =	sadd.s32 $0x1B800, s1;
	s29 =	sshll.u32 s14, $0x6;
	s18 =	smul.u32 $0x4F, s0  }
0x9: {  	s3 =	sor.u32 s0, s2;
	s10 =	ssub.s32 $0x2, s0;
	s0 =	smul.u32 $0x9E00, s0  }
0xa: {  	s2 =	rddreg [dreg:$0x2];
	s6 =	smul.u32 $0x4F, s3;
	s3 =	simm.s32 $0x0  }
0xb: {  	s11 =	sshrl.u32 s9, $0x3;
	s12 =	sshrl.u32 s10, $0x1;
	s28 =	sadd.s32 s9, s2  }
0xc: {  	[smem:$0x7FF] =	sst s3;
	s10 =	ssub.s32 s10, s12;
	s16 =	sadd.s32 s9, s26  }
0xd: {  	s21 =	sadd.s32 s18, s17;
	s0 =	sadd.s32 s0, s22;
	s7 =	smin.u32 s6, $0x975  }
0xe: {  	_ =	strace $0x8000004A;
	s13 =	ssub.s32 $0x9C4, s6;
	[dreg:$0x5] =	wrdreg s28  }
0xf: {  	s19 =	smax.u32 s10, $0x1;
	s24 =	smin.u32 s21, $0x975;
	s8 =	sshll.u32 s7, $0x4  }
0x10: {  	s25 =	smin.u32 s13, $0x4F;
	s6 =	ssub.s32 s6, s7;
	s7 =	sor.u32 $0x1C19, s29  }
0x11: {  	[dreg:$0xa] =	wrdreg s19;
	s8 =	sadd.s32 s8, s1;
	s1 =	sadd.s32 s11, s1  }
0x12: {  	s28 =	sshll.u32 s24, $0x9;
	[dreg:$0x4] =	wrdreg s25;
	s1 =	sadd.s32 $0x16800, s1  }
0x13: {  	s20 =	sshll.u32 s6, $0x9;
	s15 =	sadd.s32 $0xCA00, s8;
	[dreg:$0x6] =	wrdreg s1  }
0x14: {  	s8 =	sadd.s32 $0x2C00, s8;
	s13 =	sshra.s32 s20, $0x2;
	[dreg:$0x7] =	wrdreg s15  }
0x15: {  	s0 =	ssub.s32 s0, s28;
	[dreg:$0x8] =	wrdreg s8;
	s23 =	sadd.s32 $0x80, s13  }
0x16: {  	s0 =	sadd.s32 $0xC00, s0;
	s25 =	sadd.s32 $0x100, s13;
	[dreg:$0xb] =	wrdreg s23  }
0x17: {  	s8 =	sshrl.u32 s16, $0x3;
	s26 =	sadd.s32 $0x180, s13;
	[dreg:$0xc] =	wrdreg s25  }
0x18: {  	s1 =	sadd.s32 s31, s30;
	s29 =	sadd.s32 $0x200, s13;
	[dreg:$0xd] =	wrdreg s26  }
0x19: {  	s30 =	sadd.s32 $0x280, s13;
	s20 =	sshra.s32 s0, $0x2;
	[dreg:$0xe] =	wrdreg s29  }
0x1a: {  	s5 =	sadd.s32 s5, s8;
	s1 =	sadd.s32 $0x9C4, s1;
	[dreg:$0xf] =	wrdreg s30  }
0x1b: {  	s23 =	simm.s32 $0x19;
	s11 =	smin.u32 s1, $0x4F;
	s1 =	ssub.s32 s21, s24  }
0x1c: {  	s25 =	simm.s32 $0x80;
	[dreg:$0x9] =	wrdreg s5;
	s1 =	sshll.u32 s1, $0x9  }
0x1d: {  	s31 =	sadd.s32 $0x7, s11;
	s22 =	sadd.s32 $0xFFFFFFFA, s11;
	s1 =	sshra.s32 s1, $0x2  }
0x1e: {  	[dreg:$0x10] =	wrdreg s31;
	s6 =	sadd.s32 $0x2780, s1;
	s1 =	simm.s32 $0x0  }
.LBB2_1:
0x1f: {  	s0 =	rddreg [dreg:$0x5]  }
0x20: {  	s5 =	rddreg [dreg:$0x6];
	s0 =	sshrl.u32 s0, $0x3  }
0x21: {  	[spmem:s0], [sflag:s7] =	dma.local [hbm:s5], $0x500  }
0x22: {  	_ =	swait.ge [sflag:s23], $0x500  }
0x23: {  	[sflag:s23] =	ssyncset.done $0x0  }
0x24: {  	s14 =	rddreg [dreg:$0x7];
	[sflag:s23] =	ssyncadd.s32 $0xFFFFFB00  }
0x25: {  	[tilespmem:s3], [sflag:$0x19] =	stream.linear.gather [hbm4b:s14+s3], $0x2780, $0x38;
	[tilespmem:$0xD700] =	vst v63  }
0x26: {  	_ =	swait.ge [sflag:s23], $0x2780  }
0x27: {  	[sflag:s23] =	ssyncset.done $0x0  }
0x28: {  	s8 =	simm.s32 $0x2780;
	s15 =	rddreg [dreg:$0x8];
	[sflag:s23] =	ssyncadd.s32 $0xFFFFD880  }
0x29: {  	[tilespmem:s8], [sflag:$0x19] =	stream.linear.gather [hbm4b:s15+s3], $0x2780, $0x38;
	[tilespmem:$0xD700] =	vst v63  }
0x2a: {  	_ =	swait.ge [sflag:s23], $0x2780  }
0x2b: {  	s16 =	simm.s32 $0x4F00;
	[sflag:s23] =	ssyncset.done $0x0  }
0x2c: {  	s18 =	simm.s32 $0x5700;
	s21 =	simm.s32 $0x5F00;
	[sflag:s23] =	ssyncadd.s32 $0xFFFFD880  }
0x2d: {  	s26 =	simm.s32 $0x6700;
	s9 =	simm.s32 $0x6;
	[bflag:$0x0] =	sbarrier.arrive $0xFFFF  }
0x2e: {  	[tilespmem:s16], [sflag:$0x1] =	stream.indirect.gather [hbm4b:s4+s25], $0x10, s13, s25, $0xb8;
	[tilespmem:$0xD700] =	vst v63  }
0x2f: {  	p0 =	por $0x1, $0x1;
	s5 =	smulhi.u32 $0xAAAAAAAB, s9;
	s17 =	rddreg [dreg:$0xb]  }
0x30: {  	[tilespmem:s18], [sflag:$0x2] =	stream.indirect.gather [hbm4b:s4+s25], $0x10, s17, s25, $0xb8;
	[tilespmem:$0xD700] =	vst v63  }
0x31: {  	s28 =	simm.s32 $0x4;
	s5 =	sshrl.u32 s5, $0x3;
	s19 =	rddreg [dreg:$0xc]  }
0x32: {  	[tilespmem:s21], [sflag:$0x3] =	stream.indirect.gather [hbm4b:s4+s25], $0x10, s19, s25, $0xb8;
	[tilespmem:$0xD700] =	vst v63  }
0x33: {  	s9 =	simm.s32 $0x6F00;
	s12 =	smul.u32 $0xFFFFFFD0, s5;
	s24 =	rddreg [dreg:$0xd]  }
0x34: {  	[tilespmem:s26], [sflag:$0x4] =	stream.indirect.gather [hbm4b:s4+s25], $0x10, s24, s25, $0xb8;
	[tilespmem:$0xD700] =	vst v63  }
0x35: {  	s5 =	smul.u32 $0xFFFE8000, s5;
	s8 =	sshra.s32 s12, $0x2;
	s10 =	rddreg [dreg:$0xe]  }
0x36: {  	[tilespmem:s9], [sflag:$0x5] =	stream.indirect.gather [hbm4b:s4+s25], $0x10, s10, s25, $0xb8;
	[tilespmem:$0xD700] =	vst v63  }
0x37: {  	s5 =	sshra.s32 s5, $0x2;
	s15 =	smulhi.u32 $0xAAAAAAAB, s3;
	s9 =	sadd.s32 $0x13, s8  }
0x38: {  	s14 =	rddreg [dreg:$0xf];
	s10 =	simm.s32 $0x7700;
	s9 =	sadd.s32 @!p0 $0x0, s9  }
0x39: {  	[tilespmem:s10], [sflag:$0x6] =	stream.indirect.gather [hbm4b:s4+s25], $0x10, s14, s25, $0xb8;
	[tilespmem:$0xD700] =	vst v63  }
0x3a: {  	s5 =	sadd.s32 $0x7F00, s5;
	s10 =	sshrl.u32 s15, $0x3;
	_ =	swait.ge @!p0 [sflag:s9], $0x800  }
0x3b: {  	s31 =	smul.u32 $0xFFFFFFD0, s10;
	s19 =	rddreg [dreg:$0x4];
	[sflag:s9] =	ssyncset.done @!p0 $0x0  }
0x3c: {  	s8 =	sadd.s32 $0x7, s8;
	[sflag:s9] =	ssyncadd.s32 @!p0 $0xFFFFF800;
	p0 =	sle.u32 s19, $0x6  }
0x3d: {  	s17 =	sshra.s32 s31, $0x2;
	s8 =	sadd.s32 @!p0 $0x0, s8;
	s31 =	simm.s32 @!p0 $0x80  }
0x3e: {  	[tilespmem:s5], [sflag:s8] =	stream.indirect.gather @!p0 [hbm4b:s4+s31], $0x10, s20, s31, $0xb8;
	[tilespmem:$0xD700] =	vst v63  }
0x3f: {  	s29 =	sadd.s32 $0x80, s20;
	s16 =	smul.u32 $0xFFFE8000, s10;
	p0 =	sne.s32 s11, $0x1  }
.Ltmp0:
0x40: {  	s30 =	simm.s32 $0x1;
	s24 =	simm.s32 $0x8700;
	(pc) =	sbr.rel @!p0 .LBB2_3-.Ltmp0, $4  }
0x41: {  	s26 =	simm.s32 $0x5700;
	s9 =	sshra.s32 s16, $0x2;
	s18 =	sor.u32 $0x1, s17  }
0x42: {  	s19 =	smov.u32 s6;
	s21 =	sadd.s32 $0xD, s17;
	s8 =	sadd.s32 $0x0, s18  }
0x43: {  	s9 =	sadd.s32 $0x4F00, s9;
	s31 =	simm.s32 $0x7;
	_ =	swait.ge [sflag:s8], $0x800  }
0x44: {  	s10 =	sadd.s32 $0x0, s21;
	s5 =	smov.u32 s6;
	[sflag:s8] =	ssyncset.done $0x0  }
.LBB2_2:
0x45: {  	s12 =	smulhi.u32 $0xAAAAAAAB, s31  }
0x46: {  	[sflag:s8] =	ssyncadd.s32 $0xFFFFF800  }
0x47: {  	s5 =	sadd.s32 $0x80, s5;
	s8 =	smov.u32 s24;
	s18 =	sshrl.u32 s12, $0x3  }
0x48: {  	s14 =	smov.u32 s29;
	p0 =	slt.u32 s30, $0x6;
	s15 =	smul.u32 $0xFFFFFFD0, s18  }
0x49: {  	[spmem:s2] =	stream.indirect.scatter.add.f32 [tilespmem:s9], [sflag:s10], $0x10, s19, s25, $0xb8;
	[tilespmem:$0xD700] =	vst v63  }
0x4a: {  	s24 =	sadd.s32 $0x800, s24;
	s10 =	smul.u32 $0xFFFE8000, s18;
	s15 =	sshra.s32 s15, $0x2  }
0x4b: {  	s21 =	smulhi.u32 $0xAAAAAAAB, s30;
	s17 =	sshra.s32 @!p0 s28, $0x2;
	s16 =	sadd.s32 $0x13, s15  }
0x4c: {  	s12 =	smov.u32 s28;
	s10 =	sshra.s32 s10, $0x2;
	s16 =	sadd.s32 @!p0 s17, s16  }
0x4d: {  	s8 =	sadd.s32 s10, s8;
	s10 =	sshrl.u32 s21, $0x3;
	_ =	swait.ge @!p0 [sflag:s16], $0x800  }
0x4e: {  	s17 =	sadd.s32 $0x6, s30;
	[sflag:s16] =	ssyncset.done @!p0 $0x0;
	s18 =	rddreg [dreg:$0x4]  }
0x4f: {  	s21 =	sshra.s32 s12, $0x2;
	[sflag:s16] =	ssyncadd.s32 @!p0 $0xFFFFF800;
	p0 =	sge.u32 s17, s18  }
0x50: {  	s15 =	sadd.s32 $0x7, s15;
	s30 =	sadd.s32 $0xFFFFFFFB, s17;
	s12 =	sshra.s32 @!p0 s12, $0x2  }
0x51: {  	s16 =	smul.u32 $0xFFFFFFD0, s10;
	s12 =	sadd.s32 @!p0 s12, s15;
	s15 =	simm.s32 @!p0 $0x80  }
0x52: {  	[tilespmem:s8], [sflag:s12] =	stream.indirect.gather @!p0 [hbm4b:s4+s15], $0x10, s14, s15, $0xb8;
	[tilespmem:$0xD700] =	vst v63  }
0x53: {  	s29 =	sadd.s32 $0x80, s29;
	s31 =	sadd.s32 $0x1, s31;
	p0 =	sne.s32 s30, s11  }
.Ltmp1:
0x54: {  	s19 =	smov.u32 s5;
	s16 =	sshra.s32 s16, $0x2;
	(pc) =	sbr.rel @p0 .LBB2_2-.Ltmp1, $4  }
0x55: {  	s9 =	smov.u32 s26;
	s10 =	smul.u32 $0xFFFE8000, s10;
	s17 =	sor.u32 $0x1, s16  }
0x56: {  	s26 =	sadd.s32 $0x800, s26;
	s28 =	sadd.s32 $0x4, s28;
	s8 =	sadd.s32 s21, s17  }
0x57: {  	s10 =	sshra.s32 s10, $0x2;
	s18 =	sadd.s32 $0xD, s16;
	_ =	swait.ge [sflag:s8], $0x800  }
0x58: {  	s9 =	sadd.s32 s10, s9;
	s10 =	sadd.s32 s21, s18;
	[sflag:s8] =	ssyncset.done $0x0  }
.LBB2_3:
0x59: {  	s5 =	smulhi.u32 $0xAAAAAAAB, s22;
	_ =	sdelay $0x1  }
0x5a: {  	s5 =	sshrl.u32 s5, $0x3  }
0x5b: {  	[sflag:s8] =	ssyncadd.s32 $0xFFFFF800;
	s8 =	rddreg [dreg:$0x10];
	s31 =	smul.u32 $0xFFFFFFD0, s5  }
0x5c: {  	[spmem:s2] =	stream.indirect.scatter.add.f32 [tilespmem:s9], [sflag:s10], $0x10, s19, s25, $0xb8;
	[tilespmem:$0xD700] =	vst v63  }
0x5d: {  	s19 =	sadd.s32 $0x1, s22;
	s5 =	simm.s32 $0x5;
	s9 =	sshra.s32 s31, $0x2  }
.LBB2_4:
0x5e: {  	s10 =	smulhi.u32 $0xAAAAAAAB, s19;
	s9 =	sadd.s32 s9, s8;
	p0 =	sne.s32 s5, $0x1  }
.Ltmp2:
0x5f: {  	s5 =	sadd.s32 $0xFFFFFFFF, s5;
	_ =	swait.ge [sflag:s9], $0x800;
	(pc) =	sbr.rel @p0 .LBB2_4-.Ltmp2, $3  }
0x60: {  	s10 =	sshrl.u32 s10, $0x3;
	[sflag:s9] =	ssyncset.done $0x0  }
0x61: {  	s10 =	smul.u32 $0xFFFFFFD0, s10;
	[sflag:s9] =	ssyncadd.s32 $0xFFFFF800;
	_ =	sdelay $0x1  }
0x62: {  	s19 =	sadd.s32 $0x1, s19;
	s8 =	sadd.s32 $0x1, s8;
	s9 =	sshra.s32 s10, $0x2  }
0x63: {  	s5 =	sadd.s32 s9, s8  }
0x64: {  	_ =	swait.ge [sflag:s5], $0x800  }
0x65: {  	[sflag:s5] =	ssyncset.done $0x0  }
0x66: {  	[sflag:s5] =	ssyncadd.s32 $0xFFFFF800  }
0x67: {  	[bflag:$0x0] =	sbarrier.arrive $0xFFFF  }
0x68: {  	s30 =	rddreg [dreg:$0x9]  }
0x69: {  	[hbm:s30], [sflag:s7] =	dma.local [spmem:s0], $0x500  }
0x6a: {  	_ =	swait.ge [sflag:s23], $0x500  }
0x6b: {  	s1 =	sadd.s32 $0x1, s1;
	s31 =	rddreg [dreg:$0xa]  }
0x6c: {  	p0 =	sne.s32 s1, s31  }
.Ltmp3:
0x6d: {  	_ = 	snop;
	(pc) =	sbr.rel @p0 .LBB2_1-.Ltmp3, $3  }
0x6e: {  	_ =	sdelay $0x1  }
0x6f: {  	[sflag:s23] =	ssyncset.done $0x0  }
0x70: {  	[sflag:s23] =	ssyncadd.s32 $0xFFFFFB00  }
0x71: {  	_ =	sfence.sel $0x180000  }
0x72: {  	[bflag:$0x0] =	sbarrier.arrive $0xFFFF  }
0x73: {  	_ =	strace $0x9000004A  }
0x74: {  	s0 =	stileid.u32;
	[bflag:$0x2] =	sbarrier.arrive $0xFFFF  }
0x75: {  	p0 =	sne.s32 s0, $0x0;
	s0 =	rddreg [dreg:$0x3]  }
0x76: {  	s0 =	sadd.s32 @!p0 $0x100000, s0  }
0x77: {  	[sflag:s0] =	ssyncadd.tile.s32 @!p0 $0x1;
	_ =	shalt  }
.Lfunc_end2:
_tile_overlayer_lowered:
.L_overlay_start_2:
0x78: {  	(tag) =	ssettag $0x2  }
0x79: {  	s0 =	rddreg [dreg:$0x0];
	s2 =	stileid.u32  }
0x7a: {  	s1 =	rddreg [dreg:$0x1];
	p0 =	sne.s32 s2, $0x0  }
0x7b: {  	s3 =	rddreg [dreg:$0x2];
	[bflag:$0x3] =	sbarrier.arrive $0xFFFF;
	s2 =	simm.s32 @!p0 $0x1C19  }
0x7c: {  	[timem:s3], [sflag:s2] =	dma.local @!p0 [hbm:s0], s1  }
0x7d: {  	s0 =	simm.s32 @!p0 $0x19  }
0x7e: {  	_ =	swait.ge @!p0 [sflag:s0], s1  }
0x7f: {  	s1 =	ssub.s32 @!p0 $0x0, s1;
	[sflag:s0] =	ssyncset.done @!p0 $0x0  }
0x80: {  	[sflag:s0] =	ssyncadd.s32 @!p0 s1  }
0x81: {  	[bflag:$0x3] =	sbarrier.arrive $0xFFFF  }
0x82: {  	_ =	shalt  }

// kernel: kernel.16.cloned.1.call-start
scs
__scs_entry_jumppad:
0x0: {  	(pc) =	sbr.rel $0x88, $3  }
0x1: {  	(tag) =	ssettag $0x0;
	lr =	simm.s32 $0x1  }
0x2: {  	[smem:$0x3F9D] =	sst lr;
	_ =	strace $0xD0000000  }
0x3: {  	_ = 	snop  }
0x4: {  	_ = 	snop  }
0x5: {  	_ = 	snop  }
0x6: {  	_ = 	snop  }
0x7: {  	_ = 	snop  }
__scs_overlays_trampoline_lowered:
0x8: {  	[smem:$0x3FAC] =	sst s0  }
0x9: {  	[smem:$0x3FAD] =	sst s1  }
0xa: {  	[smem:$0x3FAE] =	sst s2  }
0xb: {  	[smem:$0x3FAF] =	sst s3  }
0xc: {  	[smem:$0x3FB0] =	sst s4  }
0xd: {  	[smem:$0x3FB1] =	sst s5  }
0xe: {  	[smem:$0x3FB2] =	sst s6  }
0xf: {  	[smem:$0x3FB3] =	sst s7  }
0x10: {  	[smem:$0x3FB4] =	sst s8  }
0x11: {  	[smem:$0x3FB5] =	sst s9;
	s0 =	simm.s32 @!p0 $0x0  }
0x12: {  	s1 =	sld [smem:$0x3F9B];
	s0 =	simm.s32 @p0 $0x1  }
0x13: {  	[smem:$0x3FB6] =	sst s0;
	s0 =	simm.s32 @!p1 $0x0  }
0x14: {  	s2 =	sld [smem:$0x3F9A];
	s0 =	simm.s32 @p1 $0x1  }
0x15: {  	[smem:$0x3FB7] =	sst s0;
	s0 =	simm.s32 @!p2 $0x0  }
0x16: {  	s3 =	sld [smem:$0x3FDB];
	s0 =	simm.s32 @p2 $0x1  }
0x17: {  	s4 =	simm.s32 $0x1BF5;
	[smem:$0x3FB9] =	sst s0  }
0x18: {  	s0 =	sld [smem:$0x3F9C];
	_ =	swait.ge [sflag:s4], $0x0  }
0x19: {  	s7 =	sld [smem:$0x3F9D]  }
0x1a: {  	s8 =	sadd.s32 $0xFFFFE003, lr  }
0x1b: {  	s9 =	sadd.s32 $0xFFFFFEF7, lr;
	s5 =	simm.s32 $0xFFFFFFFF;
	p2 =	slt.u32 s8, $0xFFFFF086  }
0x1c: {  	p1 =	slt.u32 s9, $0xF7A;
	s5 =	simm.s32 @!p2 $0x0  }
0x1d: {  	s5 =	simm.s32 @p1 $0x1;
	p0 =	seq.s32 s7, s2  }
0x1e: {  	s7 =	smul.u32 @!p0 $0xF7A, s2;
	p2 =	seq.s32 @!p0 s5, $0x0  }
0x1f: {  	s9 =	smul.u32 $0xF7A, s1;
	s8 =	simm.s32 @!p0 $0x1BF5;
	p2 =	por !p2, p0  }
0x20: {  	[sflag:s8] =	ssyncset.s32 @!p0 $0xFFFFF086;
	s6 =	sadd.s32 @!p0 s3, s7;
	s7 =	simm.s32 @!p0 $0x108  }
0x21: {  	s3 =	sadd.s32 s3, s9;
	s6 =	sadd.s32 @!p0 $0x88, s6;
	s7 =	simm.s32 @p2 $0x1082  }
0x22: {  	[simem:s7], [sflag:s8] =	dma.local @!p0 [hbm:s6], $0xF7A  }
0x23: {  	s9 =	sor.u32 $0xD0000000, s2;
	s6 =	simm.s32 $0x108;
	_ =	swait.ge @!p0 [sflag:s8], $0x0  }
0x24: {  	s3 =	sadd.s32 $0x88, s3;
	s6 =	simm.s32 @!p1 $0x1082;
	[sflag:s4] =	ssyncset.s32 $0xFFFFF086  }
0x25: {  	[simem:s6], [sflag:s4] =	dma.local [hbm:s3], $0xF7A  }
0x26: {  	[smem:$0x3F9D] =	sst s1;
	(tag) =	ssettag s2;
	_ =	strace s9  }
0x27: {  	s1 =	sld [smem:$0x3FAD]  }
0x28: {  	s2 =	sld [smem:$0x3FAE]  }
0x29: {  	s4 =	sld [smem:$0x3FB0]  }
0x2a: {  	p0 =	seq.s32 s5, $0x0;
	s5 =	sld [smem:$0x3FB1]  }
0x2b: {  	s6 =	sld [smem:$0x3FB2]  }
0x2c: {  	s7 =	sld [smem:$0x3FB3]  }
0x2d: {  	s3 =	simm.s32 $0x108;
	s8 =	sld [smem:$0x3FB4]  }
0x2e: {  	s3 =	simm.s32 @!p0 $0x1082;
	s9 =	sld [smem:$0x3FB5]  }
0x2f: {  	lr =	sadd.s32 s0, s3;
	s0 =	sld [smem:$0x3FAC]  }
0x30: {  	s3 =	sld [smem:$0x3FAF]  }
0x31: {  	[smem:$0x3FB8] =	sst s10  }
0x32: {  	s10 =	sld [smem:$0x3FB6];
	_ =	sdelay $0x3  }
0x33: {  	p0 =	seq.s32 s10, $0x1;
	s10 =	sld [smem:$0x3FB8];
	_ =	sdelay $0x3  }
0x34: {  	[smem:$0x3FB8] =	sst s10  }
0x35: {  	s10 =	sld [smem:$0x3FB7];
	_ =	sdelay $0x3  }
0x36: {  	p1 =	seq.s32 s10, $0x1;
	s10 =	sld [smem:$0x3FB8];
	_ =	sdelay $0x3  }
0x37: {  	[smem:$0x3FB8] =	sst s10  }
0x38: {  	s10 =	sld [smem:$0x3FB9]  }
0x39: {  	_ = 	snop;
	(pc) =	sbr.ind lr, $3  }
0x3a: {  	_ = 	snop  }
0x3b: {  	_ = 	snop  }
0x3c: {  	p2 =	seq.s32 s10, $0x1;
	s10 =	sld [smem:$0x3FB8]  }
0x3d: {  	_ =	shalt  }
0x3e: {  	_ =	shalt  }
0x3f: {  	_ =	shalt  }
0x40: {  	_ =	shalt  }
0x41: {  	_ =	shalt  }
0x42: {  	_ =	shalt  }
0x43: {  	_ =	shalt  }
0x44: {  	_ =	shalt  }
0x45: {  	_ =	shalt  }
0x46: {  	_ =	shalt  }
0x47: {  	_ =	shalt  }
0x48: {  	_ =	shalt  }
0x49: {  	_ =	shalt  }
0x4a: {  	_ =	shalt  }
0x4b: {  	_ =	shalt  }
0x4c: {  	_ =	shalt  }
0x4d: {  	_ =	shalt  }
0x4e: {  	_ =	shalt  }
0x4f: {  	_ =	shalt  }
0x50: {  	_ =	shalt  }
0x51: {  	_ =	shalt  }
0x52: {  	_ =	shalt  }
0x53: {  	_ =	shalt  }
0x54: {  	_ =	shalt  }
0x55: {  	_ =	shalt  }
0x56: {  	_ =	shalt  }
0x57: {  	_ =	shalt  }
0x58: {  	_ =	shalt  }
0x59: {  	_ =	shalt  }
0x5a: {  	_ =	shalt  }
0x5b: {  	_ =	shalt  }
0x5c: {  	_ =	shalt  }
0x5d: {  	_ =	shalt  }
0x5e: {  	_ =	shalt  }
0x5f: {  	_ =	shalt  }
0x60: {  	_ =	shalt  }
0x61: {  	_ =	shalt  }
0x62: {  	_ =	shalt  }
0x63: {  	_ =	shalt  }
0x64: {  	_ =	shalt  }
0x65: {  	_ =	shalt  }
0x66: {  	_ =	shalt  }
0x67: {  	_ =	shalt  }
0x68: {  	_ =	shalt  }
0x69: {  	_ =	shalt  }
0x6a: {  	_ =	shalt  }
0x6b: {  	_ =	shalt  }
0x6c: {  	_ =	shalt  }
0x6d: {  	_ =	shalt  }
0x6e: {  	_ =	shalt  }
0x6f: {  	_ =	shalt  }
0x70: {  	_ =	shalt  }
0x71: {  	_ =	shalt  }
0x72: {  	_ =	shalt  }
0x73: {  	_ =	shalt  }
0x74: {  	_ =	shalt  }
0x75: {  	_ =	shalt  }
0x76: {  	_ =	shalt  }
0x77: {  	_ =	shalt  }
0x78: {  	_ =	shalt  }
0x79: {  	_ =	shalt  }
0x7a: {  	_ =	shalt  }
0x7b: {  	_ =	shalt  }
0x7c: {  	_ =	shalt  }
0x7d: {  	_ =	shalt  }
0x7e: {  	_ =	shalt  }
0x7f: {  	_ =	shalt  }
0x80: {  	_ =	shalt  }
0x81: {  	_ =	shalt  }
0x82: {  	_ =	shalt  }
0x83: {  	_ =	shalt  }
0x84: {  	_ =	shalt  }
0x85: {  	_ =	shalt  }
0x86: {  	_ =	shalt  }
0x87: {  	_ =	shalt  }
.Lfunc_end0:
.L_simem_size_0:
called_computation.2_lowered:
.L_overlay_start_0:
0x88: {  	s2 =	sld [smem:$0x3FD9]  }
0x89: {  	s3 =	sld [smem:$0x3FFE];
	_ =	sdelay $0x1  }
0x8a: {  	s1 =	srdreg.scid  }
0x8b: {  	s0 =	sand.u32 $0x1, s1  }
0x8c: {  	s17 =	sshll.u32 s0, $0xA;
	s2 =	sadd.s32 s3, s2  }
0x8d: {  	s2 =	sadd.s32 s2, s17  }
0x8e: {  	[smem:$0x3FC4] =	sst s2  }
0x8f: {  	_ = 	snop  }
0x90: {  	s2 =	sld [smem:$0x3FD0];
	(tm) =	ssettm $0x1  }
0x91: {  	s18 =	sld [smem:$0x3FFB];
	_ =	sdelay $0x3  }
0x92: {  	_ =	strace s18  }
0x93: {  	s3 =	sld [smem:$0x3FFC];
	_ =	sdelay $0x3  }
0x94: {  	_ =	strace s3  }
0x95: {  	s3 =	sld [smem:$0x3FFD];
	_ =	sdelay $0x3  }
0x96: {  	_ =	strace s3  }
0x97: {  	_ =	strace $0x8FFFFFFF  }
0x98: {  	s19 =	sld [smem:$0x3FDB];
	_ =	sdelay $0x1  }
0x99: {  	s4 =	simm.s32 $_scs_section_size  }
0x9a: {  	s5 =	simm.s32 $_size__tile_overlayer_lowered;
	s6 =	simm.s32 $_tile_overlayer_lowered  }
0x9b: {  	s22 =	simm.s32 $0x1BFF;
	s21 =	sshll.u32 s6, $0x1;
	s3 =	sadd.s32 s4, s19  }
0x9c: {  	s7 =	simm.s32 $0x0;
	s20 =	sshll.u32 s5, $0x1;
	s5 =	sadd.s32 s21, s3  }
0x9d: {  	[timem:s7], [sflag:s22] =	dma.local [hbm:s5], s20  }
0x9e: {  	_ =	swait.ge [sflag:s22], s20  }
0x9f: {  	s4 =	ssub.s32 $0x0, s20;
	[sflag:s22] =	ssyncset.done $0x0  }
0xa0: {  	[sflag:s22] =	ssyncadd.s32 s4;
	_ =	sdelay $0x1  }
0xa1: {  	s23 =	simm.s32 $0x1B8B  }
0xa2: {  	_ =	swait.ge [sflag:s23], $0x1  }
0xa3: {  	[sflag:s23] =	ssyncset.done $0x0  }
0xa4: {  	s25 =	simm.s32 $0x1B8E;
	s24 =	sld [smem:$0x3FFE];
	[sflag:s23] =	ssyncadd.s32 $0xFFFFFFFF  }
0xa5: {  	s26 =	simm.s32 $execute0_lowered;
	[smem:$0x3FD2] =	sst s25  }
0xa6: {  	s5 =	sshll.u32 s26, $0x1;
	_ =	strace $0x8000004C;
	[dreg:$0x1] =	wrdreg $0xFFFFFFFF  }
0xa7: {  	s28 =	simm.s32 $_size_execute0_lowered;
	s3 =	sadd.s32 s3, s5;
	[dreg:$0x0] =	wrdreg $0x0  }
0xa8: {  	s5 =	sshll.u32 s28, $0x1;
	[dreg:$0x2] =	wrdreg s3  }
0xa9: {  	[dreg:$0x3] =	wrdreg s5  }
0xaa: {  	[dreg:$0x4] =	wrdreg $0xC0  }
0xab: {  	_ =	task [dreg:s7], $0x5FFFF  }
0xac: {  	[dreg:$0x1] =	wrdreg $0xFFFFFFFF  }
0xad: {  	[dreg:$0x0] =	wrdreg $0x60  }
0xae: {  	[dreg:$0x2] =	wrdreg s24  }
0xaf: {  	[dreg:$0x3] =	wrdreg s2  }
0xb0: {  	[dreg:$0x4] =	wrdreg $0xAF000  }
0xb1: {  	[dreg:$0x5] =	wrdreg $0x9  }
0xb2: {  	_ =	task.clear_ibuf [dreg:s7], $0x6FFFF;
	_ =	strace $0x9000004C  }
0xb3: {  	s29 =	simm.s32 $0x9;
	_ =	strace $0x8000004E  }
0xb4: {  	_ =	swait.ge [sflag:s29], $0x1  }
0xb5: {  	[sflag:s29] =	ssyncadd.s32 $0xFFFFFFFF  }
0xb6: {  	_ =	strace $0x9000004E  }
0xb7: {  	_ =	sfence  }
0xb8: {  	s30 =	sld [smem:$0x0];
	_ =	sdelay $0x2  }
0xb9: {  	s31 =	sshll.u32 s1, $0xD;
	s1 =	sshrl.u32 s1, $0x2  }
0xba: {  	s3 =	sand.u32 $0x4000, s31;
	s1 =	sadd.s32 s1, s30  }
0xbb: {  	s0 =	sor.u32 s3, s0;
	s1 =	sshll.u32 s1, $0x11  }
0xbc: {  	s0 =	sor.u32 s1, s0  }
0xbd: {  	s0 =	sadd.s32 $0x8F2B, s0  }
0xbe: {  	[sflag:s0] =	ssyncadd.remote.s32 $0x1  }
0xbf: {  	_ =	sfence.sel $0xFFFF  }
0xc0: {  	[dreg:$0x0] =	wrdreg $0xFFFFFFFF;
	(pc) =	sbr.abs _section_cstart, $3  }
0xc1: {  	[dreg:$0x1] =	wrdreg $0xFFFFFFFF  }
0xc2: {  	_ =	task.clear_ibuf [dreg:s7], $0x2FFFF;
	_ =	strace $0x9FFFFFFF  }
0xc3: {  	(tm) =	ssettm $0x7FFFFFFF  }
tec
execute0_lowered:
.L_overlay_start_1:
0x0: {  	(tag) =	ssettag $0x1  }
0x1: {  	s14 =	stileid.u32  }
0x2: {  	s9 =	smul.u32 $0x2800, s14  }
0x3: {  	s31 =	smul.u32 $0xFFFFFF62, s14  }
0x4: {  	s0 =	srdreg.scid;
	s17 =	smul.u32 $0x9E, s14  }
0x5: {  	s0 =	sand.u32 $0x1, s0;
	s22 =	smul.u32 $0x13C00, s14  }
0x6: {  	s1 =	rddreg [dreg:$0x0];
	s26 =	smul.u32 $0x28000, s0  }
0x7: {  	s5 =	rddreg [dreg:$0x1];
	s2 =	sshll.u32 s14, $0x1;
	s30 =	smul.u32 $0xFFFFFFB1, s0  }
0x8: {  	s4 =	sadd.s32 $0x1B800, s1;
	s29 =	sshll.u32 s14, $0x6;
	s18 =	smul.u32 $0x4F, s0  }
0x9: {  	s3 =	sor.u32 s0, s2;
	s10 =	ssub.s32 $0x2, s0;
	s0 =	smul.u32 $0x9E00, s0  }
0xa: {  	s2 =	rddreg [dreg:$0x2];
	s6 =	smul.u32 $0x4F, s3;
	s3 =	simm.s32 $0x0  }
0xb: {  	s11 =	sshrl.u32 s9, $0x3;
	s12 =	sshrl.u32 s10, $0x1;
	s28 =	sadd.s32 s9, s2  }
0xc: {  	[smem:$0x7FF] =	sst s3;
	s10 =	ssub.s32 s10, s12;
	s16 =	sadd.s32 s9, s26  }
0xd: {  	s21 =	sadd.s32 s18, s17;
	s0 =	sadd.s32 s0, s22;
	s7 =	smin.u32 s6, $0x975  }
0xe: {  	_ =	strace $0x8000004D;
	s13 =	ssub.s32 $0x9C4, s6;
	[dreg:$0x5] =	wrdreg s28  }
0xf: {  	s19 =	smax.u32 s10, $0x1;
	s24 =	smin.u32 s21, $0x975;
	s8 =	sshll.u32 s7, $0x4  }
0x10: {  	s25 =	smin.u32 s13, $0x4F;
	s6 =	ssub.s32 s6, s7;
	s7 =	sor.u32 $0x1C19, s29  }
0x11: {  	[dreg:$0xa] =	wrdreg s19;
	s8 =	sadd.s32 s8, s1;
	s1 =	sadd.s32 s11, s1  }
0x12: {  	s28 =	sshll.u32 s24, $0x9;
	[dreg:$0x4] =	wrdreg s25;
	s1 =	sadd.s32 $0x16800, s1  }
0x13: {  	s20 =	sshll.u32 s6, $0x9;
	s15 =	sadd.s32 $0xCA00, s8;
	[dreg:$0x6] =	wrdreg s1  }
0x14: {  	s8 =	sadd.s32 $0x2C00, s8;
	s13 =	sshra.s32 s20, $0x2;
	[dreg:$0x7] =	wrdreg s15  }
0x15: {  	s0 =	ssub.s32 s0, s28;
	[dreg:$0x8] =	wrdreg s8;
	s23 =	sadd.s32 $0x80, s13  }
0x16: {  	s0 =	sadd.s32 $0xC00, s0;
	s25 =	sadd.s32 $0x100, s13;
	[dreg:$0xb] =	wrdreg s23  }
0x17: {  	s8 =	sshrl.u32 s16, $0x3;
	s26 =	sadd.s32 $0x180, s13;
	[dreg:$0xc] =	wrdreg s25  }
0x18: {  	s1 =	sadd.s32 s31, s30;
	s29 =	sadd.s32 $0x200, s13;
	[dreg:$0xd] =	wrdreg s26  }
0x19: {  	s30 =	sadd.s32 $0x280, s13;
	s20 =	sshra.s32 s0, $0x2;
	[dreg:$0xe] =	wrdreg s29  }
0x1a: {  	s5 =	sadd.s32 s5, s8;
	s1 =	sadd.s32 $0x9C4, s1;
	[dreg:$0xf] =	wrdreg s30  }
0x1b: {  	s23 =	simm.s32 $0x19;
	s11 =	smin.u32 s1, $0x4F;
	s1 =	ssub.s32 s21, s24  }
0x1c: {  	s25 =	simm.s32 $0x80;
	[dreg:$0x9] =	wrdreg s5;
	s1 =	sshll.u32 s1, $0x9  }
0x1d: {  	s31 =	sadd.s32 $0x7, s11;
	s22 =	sadd.s32 $0xFFFFFFFA, s11;
	s1 =	sshra.s32 s1, $0x2  }
0x1e: {  	[dreg:$0x10] =	wrdreg s31;
	s6 =	sadd.s32 $0x2780, s1;
	s1 =	simm.s32 $0x0  }
.LBB2_1:
0x1f: {  	s0 =	rddreg [dreg:$0x5]  }
0x20: {  	s5 =	rddreg [dreg:$0x6];
	s0 =	sshrl.u32 s0, $0x3  }
0x21: {  	[spmem:s0], [sflag:s7] =	dma.local [hbm:s5], $0x500  }
0x22: {  	_ =	swait.ge [sflag:s23], $0x500  }
0x23: {  	[sflag:s23] =	ssyncset.done $0x0  }
0x24: {  	s14 =	rddreg [dreg:$0x7];
	[sflag:s23] =	ssyncadd.s32 $0xFFFFFB00  }
0x25: {  	[tilespmem:s3], [sflag:$0x19] =	stream.linear.gather [hbm4b:s14+s3], $0x2780, $0x38;
	[tilespmem:$0xD700] =	vst v63  }
0x26: {  	_ =	swait.ge [sflag:s23], $0x2780  }
0x27: {  	[sflag:s23] =	ssyncset.done $0x0  }
0x28: {  	s8 =	simm.s32 $0x2780;
	s15 =	rddreg [dreg:$0x8];
	[sflag:s23] =	ssyncadd.s32 $0xFFFFD880  }
0x29: {  	[tilespmem:s8], [sflag:$0x19] =	stream.linear.gather [hbm4b:s15+s3], $0x2780, $0x38;
	[tilespmem:$0xD700] =	vst v63  }
0x2a: {  	_ =	swait.ge [sflag:s23], $0x2780  }
0x2b: {  	s16 =	simm.s32 $0x4F00;
	[sflag:s23] =	ssyncset.done $0x0  }
0x2c: {  	s18 =	simm.s32 $0x5700;
	s21 =	simm.s32 $0x5F00;
	[sflag:s23] =	ssyncadd.s32 $0xFFFFD880  }
0x2d: {  	s26 =	simm.s32 $0x6700;
	s9 =	simm.s32 $0x6;
	[bflag:$0x0] =	sbarrier.arrive $0xFFFF  }
0x2e: {  	[tilespmem:s16], [sflag:$0x1] =	stream.indirect.gather [hbm4b:s4+s25], $0x10, s13, s25, $0xb8;
	[tilespmem:$0xD700] =	vst v63  }
0x2f: {  	p0 =	por $0x1, $0x1;
	s5 =	smulhi.u32 $0xAAAAAAAB, s9;
	s17 =	rddreg [dreg:$0xb]  }
0x30: {  	[tilespmem:s18], [sflag:$0x2] =	stream.indirect.gather [hbm4b:s4+s25], $0x10, s17, s25, $0xb8;
	[tilespmem:$0xD700] =	vst v63  }
0x31: {  	s28 =	simm.s32 $0x4;
	s5 =	sshrl.u32 s5, $0x3;
	s19 =	rddreg [dreg:$0xc]  }
0x32: {  	[tilespmem:s21], [sflag:$0x3] =	stream.indirect.gather [hbm4b:s4+s25], $0x10, s19, s25, $0xb8;
	[tilespmem:$0xD700] =	vst v63  }
0x33: {  	s9 =	simm.s32 $0x6F00;
	s12 =	smul.u32 $0xFFFFFFD0, s5;
	s24 =	rddreg [dreg:$0xd]  }
0x34: {  	[tilespmem:s26], [sflag:$0x4] =	stream.indirect.gather [hbm4b:s4+s25], $0x10, s24, s25, $0xb8;
	[tilespmem:$0xD700] =	vst v63  }
0x35: {  	s5 =	smul.u32 $0xFFFE8000, s5;
	s8 =	sshra.s32 s12, $0x2;
	s10 =	rddreg [dreg:$0xe]  }
0x36: {  	[tilespmem:s9], [sflag:$0x5] =	stream.indirect.gather [hbm4b:s4+s25], $0x10, s10, s25, $0xb8;
	[tilespmem:$0xD700] =	vst v63  }
0x37: {  	s5 =	sshra.s32 s5, $0x2;
	s15 =	smulhi.u32 $0xAAAAAAAB, s3;
	s9 =	sadd.s32 $0x13, s8  }
0x38: {  	s14 =	rddreg [dreg:$0xf];
	s10 =	simm.s32 $0x7700;
	s9 =	sadd.s32 @!p0 $0x0, s9  }
0x39: {  	[tilespmem:s10], [sflag:$0x6] =	stream.indirect.gather [hbm4b:s4+s25], $0x10, s14, s25, $0xb8;
	[tilespmem:$0xD700] =	vst v63  }
0x3a: {  	s5 =	sadd.s32 $0x7F00, s5;
	s10 =	sshrl.u32 s15, $0x3;
	_ =	swait.ge @!p0 [sflag:s9], $0x800  }
0x3b: {  	s31 =	smul.u32 $0xFFFFFFD0, s10;
	s19 =	rddreg [dreg:$0x4];
	[sflag:s9] =	ssyncset.done @!p0 $0x0  }
0x3c: {  	s8 =	sadd.s32 $0x7, s8;
	[sflag:s9] =	ssyncadd.s32 @!p0 $0xFFFFF800;
	p0 =	sle.u32 s19, $0x6  }
0x3d: {  	s17 =	sshra.s32 s31, $0x2;
	s8 =	sadd.s32 @!p0 $0x0, s8;
	s31 =	simm.s32 @!p0 $0x80  }
0x3e: {  	[tilespmem:s5], [sflag:s8] =	stream.indirect.gather @!p0 [hbm4b:s4+s31], $0x10, s20, s31, $0xb8;
	[tilespmem:$0xD700] =	vst v63  }
0x3f: {  	s29 =	sadd.s32 $0x80, s20;
	s16 =	smul.u32 $0xFFFE8000, s10;
	p0 =	sne.s32 s11, $0x1  }
.Ltmp0:
0x40: {  	s30 =	simm.s32 $0x1;
	s24 =	simm.s32 $0x8700;
	(pc) =	sbr.rel @!p0 .LBB2_3-.Ltmp0, $4  }
0x41: {  	s26 =	simm.s32 $0x5700;
	s9 =	sshra.s32 s16, $0x2;
	s18 =	sor.u32 $0x1, s17  }
0x42: {  	s19 =	smov.u32 s6;
	s21 =	sadd.s32 $0xD, s17;
	s8 =	sadd.s32 $0x0, s18  }
0x43: {  	s9 =	sadd.s32 $0x4F00, s9;
	s31 =	simm.s32 $0x7;
	_ =	swait.ge [sflag:s8], $0x800  }
0x44: {  	s10 =	sadd.s32 $0x0, s21;
	s5 =	smov.u32 s6;
	[sflag:s8] =	ssyncset.done $0x0  }
.LBB2_2:
0x45: {  	s12 =	smulhi.u32 $0xAAAAAAAB, s31  }
0x46: {  	[sflag:s8] =	ssyncadd.s32 $0xFFFFF800  }
0x47: {  	s5 =	sadd.s32 $0x80, s5;
	s8 =	smov.u32 s24;
	s18 =	sshrl.u32 s12, $0x3  }
0x48: {  	s14 =	smov.u32 s29;
	p0 =	slt.u32 s30, $0x6;
	s15 =	smul.u32 $0xFFFFFFD0, s18  }
0x49: {  	[spmem:s2] =	stream.indirect.scatter.add.f32 [tilespmem:s9], [sflag:s10], $0x10, s19, s25, $0xb8;
	[tilespmem:$0xD700] =	vst v63  }
0x4a: {  	s24 =	sadd.s32 $0x800, s24;
	s10 =	smul.u32 $0xFFFE8000, s18;
	s15 =	sshra.s32 s15, $0x2  }
0x4b: {  	s21 =	smulhi.u32 $0xAAAAAAAB, s30;
	s17 =	sshra.s32 @!p0 s28, $0x2;
	s16 =	sadd.s32 $0x13, s15  }
0x4c: {  	s12 =	smov.u32 s28;
	s10 =	sshra.s32 s10, $0x2;
	s16 =	sadd.s32 @!p0 s17, s16  }
0x4d: {  	s8 =	sadd.s32 s10, s8;
	s10 =	sshrl.u32 s21, $0x3;
	_ =	swait.ge @!p0 [sflag:s16], $0x800  }
0x4e: {  	s17 =	sadd.s32 $0x6, s30;
	[sflag:s16] =	ssyncset.done @!p0 $0x0;
	s18 =	rddreg [dreg:$0x4]  }
0x4f: {  	s21 =	sshra.s32 s12, $0x2;
	[sflag:s16] =	ssyncadd.s32 @!p0 $0xFFFFF800;
	p0 =	sge.u32 s17, s18  }
0x50: {  	s15 =	sadd.s32 $0x7, s15;
	s30 =	sadd.s32 $0xFFFFFFFB, s17;
	s12 =	sshra.s32 @!p0 s12, $0x2  }
0x51: {  	s16 =	smul.u32 $0xFFFFFFD0, s10;
	s12 =	sadd.s32 @!p0 s12, s15;
	s15 =	simm.s32 @!p0 $0x80  }
0x52: {  	[tilespmem:s8], [sflag:s12] =	stream.indirect.gather @!p0 [hbm4b:s4+s15], $0x10, s14, s15, $0xb8;
	[tilespmem:$0xD700] =	vst v63  }
0x53: {  	s29 =	sadd.s32 $0x80, s29;
	s31 =	sadd.s32 $0x1, s31;
	p0 =	sne.s32 s30, s11  }
.Ltmp1:
0x54: {  	s19 =	smov.u32 s5;
	s16 =	sshra.s32 s16, $0x2;
	(pc) =	sbr.rel @p0 .LBB2_2-.Ltmp1, $4  }
0x55: {  	s9 =	smov.u32 s26;
	s10 =	smul.u32 $0xFFFE8000, s10;
	s17 =	sor.u32 $0x1, s16  }
0x56: {  	s26 =	sadd.s32 $0x800, s26;
	s28 =	sadd.s32 $0x4, s28;
	s8 =	sadd.s32 s21, s17  }
0x57: {  	s10 =	sshra.s32 s10, $0x2;
	s18 =	sadd.s32 $0xD, s16;
	_ =	swait.ge [sflag:s8], $0x800  }
0x58: {  	s9 =	sadd.s32 s10, s9;
	s10 =	sadd.s32 s21, s18;
	[sflag:s8] =	ssyncset.done $0x0  }
.LBB2_3:
0x59: {  	s5 =	smulhi.u32 $0xAAAAAAAB, s22;
	_ =	sdelay $0x1  }
0x5a: {  	s5 =	sshrl.u32 s5, $0x3  }
0x5b: {  	[sflag:s8] =	ssyncadd.s32 $0xFFFFF800;
	s8 =	rddreg [dreg:$0x10];
	s31 =	smul.u32 $0xFFFFFFD0, s5  }
0x5c: {  	[spmem:s2] =	stream.indirect.scatter.add.f32 [tilespmem:s9], [sflag:s10], $0x10, s19, s25, $0xb8;
	[tilespmem:$0xD700] =	vst v63  }
0x5d: {  	s19 =	sadd.s32 $0x1, s22;
	s5 =	simm.s32 $0x5;
	s9 =	sshra.s32 s31, $0x2  }
.LBB2_4:
0x5e: {  	s10 =	smulhi.u32 $0xAAAAAAAB, s19;
	s9 =	sadd.s32 s9, s8;
	p0 =	sne.s32 s5, $0x1  }
.Ltmp2:
0x5f: {  	s5 =	sadd.s32 $0xFFFFFFFF, s5;
	_ =	swait.ge [sflag:s9], $0x800;
	(pc) =	sbr.rel @p0 .LBB2_4-.Ltmp2, $3  }
0x60: {  	s10 =	sshrl.u32 s10, $0x3;
	[sflag:s9] =	ssyncset.done $0x0  }
0x61: {  	s10 =	smul.u32 $0xFFFFFFD0, s10;
	[sflag:s9] =	ssyncadd.s32 $0xFFFFF800;
	_ =	sdelay $0x1  }
0x62: {  	s19 =	sadd.s32 $0x1, s19;
	s8 =	sadd.s32 $0x1, s8;
	s9 =	sshra.s32 s10, $0x2  }
0x63: {  	s5 =	sadd.s32 s9, s8  }
0x64: {  	_ =	swait.ge [sflag:s5], $0x800  }
0x65: {  	[sflag:s5] =	ssyncset.done $0x0  }
0x66: {  	[sflag:s5] =	ssyncadd.s32 $0xFFFFF800  }
0x67: {  	[bflag:$0x0] =	sbarrier.arrive $0xFFFF  }
0x68: {  	s30 =	rddreg [dreg:$0x9]  }
0x69: {  	[hbm:s30], [sflag:s7] =	dma.local [spmem:s0], $0x500  }
0x6a: {  	_ =	swait.ge [sflag:s23], $0x500  }
0x6b: {  	s1 =	sadd.s32 $0x1, s1;
	s31 =	rddreg [dreg:$0xa]  }
0x6c: {  	p0 =	sne.s32 s1, s31  }
.Ltmp3:
0x6d: {  	_ = 	snop;
	(pc) =	sbr.rel @p0 .LBB2_1-.Ltmp3, $3  }
0x6e: {  	_ =	sdelay $0x1  }
0x6f: {  	[sflag:s23] =	ssyncset.done $0x0  }
0x70: {  	[sflag:s23] =	ssyncadd.s32 $0xFFFFFB00  }
0x71: {  	_ =	sfence.sel $0x180000  }
0x72: {  	[bflag:$0x0] =	sbarrier.arrive $0xFFFF  }
0x73: {  	_ =	strace $0x9000004D  }
0x74: {  	s0 =	stileid.u32;
	[bflag:$0x2] =	sbarrier.arrive $0xFFFF  }
0x75: {  	p0 =	sne.s32 s0, $0x0;
	s0 =	rddreg [dreg:$0x3]  }
0x76: {  	s0 =	sadd.s32 @!p0 $0x100000, s0  }
0x77: {  	[sflag:s0] =	ssyncadd.tile.s32 @!p0 $0x1;
	_ =	shalt  }
.Lfunc_end2:
_tile_overlayer_lowered:
.L_overlay_start_2:
0x78: {  	(tag) =	ssettag $0x2  }
0x79: {  	s0 =	rddreg [dreg:$0x0];
	s2 =	stileid.u32  }
0x7a: {  	s1 =	rddreg [dreg:$0x1];
	p0 =	sne.s32 s2, $0x0  }
0x7b: {  	s3 =	rddreg [dreg:$0x2];
	[bflag:$0x3] =	sbarrier.arrive $0xFFFF;
	s2 =	simm.s32 @!p0 $0x1C19  }
0x7c: {  	[timem:s3], [sflag:s2] =	dma.local @!p0 [hbm:s0], s1  }
0x7d: {  	s0 =	simm.s32 @!p0 $0x19  }
0x7e: {  	_ =	swait.ge @!p0 [sflag:s0], s1  }
0x7f: {  	s1 =	ssub.s32 @!p0 $0x0, s1;
	[sflag:s0] =	ssyncset.done @!p0 $0x0  }
0x80: {  	[sflag:s0] =	ssyncadd.s32 @!p0 s1  }
0x81: {  	[bflag:$0x3] =	sbarrier.arrive $0xFFFF  }
0x82: {  	_ =	shalt  }

</sc_bundles>
